<compile_context>
chip_gen: v7x
topology: tpu7x:2x2x1
jax: 0.10.2.dev20260603
libtpu: 0.0.44.dev20260713+nightly
codegen_flags: <defaults>
</compile_context>

<pallas_src>
import functools

import jax
import jax.numpy as jnp
from jax import lax
from jax.experimental import pallas as pl
from jax.experimental.pallas import tpu as pltpu
from jax.experimental.pallas import tpu_sc as plsc

_PAD = 0
_NCH = 8


def _bcast_body(table_hbm, out_hbm, buf, rsem, wsem):
    N = out_hbm.shape[0]
    S = table_hbm.shape[0]
    ch = S // _NCH
    reads = [
        pltpu.make_async_copy(
            table_hbm.at[pl.ds(c * ch, ch)], buf.at[pl.ds(c * ch, ch)], rsem.at[c]
        )
        for c in range(_NCH)
    ]
    for r in reads:
        r.start()
    writes = []
    for c in range(_NCH):
        reads[c].wait()
        for n in range(N):
            w = pltpu.make_async_copy(
                buf.at[pl.ds(c * ch, ch)],
                out_hbm.at[n, pl.ds(c * ch, ch)],
                wsem.at[c, n],
            )
            w.start()
            writes.append(w)
    for w in writes:
        w.wait()


def _make_sc_mask(N, S):
    info = plsc.get_sparse_core_info()
    NC, NS, L = info.num_cores, info.num_subcores, info.num_lanes
    NW = NC * NS
    cols_per_w = (N * S) // NW
    n_vec = cols_per_w // L
    mesh = plsc.VectorSubcoreMesh(core_axis_name="c", subcore_axis_name="s")

    @functools.partial(
        pl.kernel,
        mesh=mesh,
        out_type=jax.ShapeDtypeStruct((N, S), jnp.int32),
        scratch_types=[
            pltpu.VMEM((cols_per_w,), jnp.int32),
            pltpu.VMEM((cols_per_w,), jnp.int32),
        ],
    )
    def sc_mask(src_hbm, mask_out, sbuf, mbuf):
        wid = lax.axis_index("s") * NC + lax.axis_index("c")
        row = wid // (S // cols_per_w)
        col = (wid % (S // cols_per_w)) * cols_per_w
        pltpu.sync_copy(src_hbm.at[row, pl.ds(col, cols_per_w)], sbuf)

        def body(i, _):
            v = sbuf[pl.ds(i * L, L)]
            mbuf[pl.ds(i * L, L)] = jnp.where(v == _PAD, 1, 0).astype(jnp.int32)
            return 0

        lax.fori_loop(0, n_vec, body, 0)
        pltpu.sync_copy(mbuf, mask_out.at[row, pl.ds(col, cols_per_w)])

    return sc_mask


def kernel(src, pos_table):
    N, S = src.shape
    _, E = pos_table.shape

    pos_emb = pl.pallas_call(
        _bcast_body,
        in_specs=[pl.BlockSpec(memory_space=pl.ANY)],
        out_specs=pl.BlockSpec(memory_space=pl.ANY),
        out_shape=jax.ShapeDtypeStruct((N, S, E), pos_table.dtype),
        scratch_shapes=[
            pltpu.VMEM((S, E), pos_table.dtype),
            pltpu.SemaphoreType.DMA((_NCH,)),
            pltpu.SemaphoreType.DMA((_NCH, N)),
        ],
    )(pos_table)

    mask_i32 = _make_sc_mask(N, S)(src)
    return pos_emb, mask_i32.astype(jnp.bool_)

# --- scband reference (transcript-rebuilt; emitter-appended) ---
"""Pipeline reference for scband-base-transformer-1443109012405 (READ-ONLY COPY).

The authoritative reference and input builder live on the scoring server;
editing this copy changes nothing except your own understanding.
"""

import jax, jax.numpy as jnp
import numpy as np

PAD_INDEX = 0

def setup_inputs(seed: int = 0) -> dict:
    key = jax.random.key(seed)
    k1, k2 = jax.random.split(key)
    src = jax.random.randint(k1, (4, 8192), 0, 32000)
    pos_table = jax.random.normal(k2, (8192, 1024), dtype=jnp.float32)
    return {"src": src, "pos_table": pos_table}

def reference(src, pos_table):
    # get_positional_embedding(type='sequential'):
    # positions = arange(seq_len) expanded to (N, seq_len), then embedding lookup
    N, seq_length = src.shape
    positions = jnp.broadcast_to(jnp.arange(seq_length), (N, seq_length))
    pos_emb = jnp.take(pos_table, positions, axis=0)  # (N, seq_len, embedding_size)
    # make_src_key_padding_mask
    mask = src == PAD_INDEX
    return pos_emb, mask

if __name__ == "__main__":
    import jax
    _d = setup_inputs()
    print(jax.jit(kernel)(*tuple(_d.values())))

</pallas_src>

<mosaic_0001>
#map = affine_map<(d0, d1) -> (0, 0)>
module attributes {stable_mosaic.version = 14 : i64} {
  func.func @sc_mask(%arg0: i32, %arg1: i32, %arg2: memref<4x8192xi32, #tpu.memory_space<hbm>>, %arg3: memref<4x8192xi32, #tpu.memory_space<hbm>>, %arg4: memref<1024xi32, #tpu.memory_space<vmem>>, %arg5: memref<1024xi32, #tpu.memory_space<vmem>>) attributes {dimension_semantics = [#tpu.dimension_semantics<core_parallel>, #tpu.dimension_semantics<subcore_parallel>], iteration_bounds = array<i64: 2, 16>, scalar_prefetch = 0 : i64, scratch_operands = 2 : i64, tpu.core_type = #tpu.core_type<sc_vector_subcore>, window_params = [{transform_indices = #map}, {transform_indices = #map}]} {
    %mul3A = arith.constant 2 : i32
    %mul3A_0 = arith.muli %arg1, %mul3A : i32
    %add3A = arith.addi %mul3A_0, %arg0 : i32
    %jit3A = arith.constant 8 : i32
    %div3A = arith.divsi %add3A, %jit3A : i32
    %sign3A = arith.constant 0 : i32
    %sign3A_1 = arith.cmpi sgt, %add3A, %sign3A : i32
    %sign3A_2 = arith.extui %sign3A_1 : i1 to i32
    %sign3A_3 = arith.constant 0 : i32
    %sign3A_4 = arith.cmpi slt, %add3A, %sign3A_3 : i32
    %sign3A_5 = arith.extui %sign3A_4 : i1 to i32
    %sign3A_6 = arith.subi %sign3A_2, %sign3A_5 : i32
    %sign3A_7 = arith.constant 0 : i32
    %sign3A_8 = arith.cmpi sgt, %jit3A, %sign3A_7 : i32
    %sign3A_9 = arith.extui %sign3A_8 : i1 to i32
    %sign3A_10 = arith.constant 0 : i32
    %sign3A_11 = arith.cmpi slt, %jit3A, %sign3A_10 : i32
    %sign3A_12 = arith.extui %sign3A_11 : i1 to i32
    %sign3A_13 = arith.subi %sign3A_9, %sign3A_12 : i32
    %ne3A = arith.cmpi ne, %sign3A_6, %sign3A_13 : i32
    %rem3A = arith.remsi %add3A, %jit3A : i32
    %ne3A_14 = arith.constant 0 : i32
    %ne3A_15 = arith.cmpi ne, %rem3A, %ne3A_14 : i32
    %and3A = arith.andi %ne3A, %ne3A_15 : i1
    %sub3A = arith.constant 1 : i32
    %sub3A_16 = arith.subi %div3A, %sub3A : i32
    %select_n3A = arith.select %and3A, %sub3A_16, %div3A : i32
    %jit3A_17 = arith.constant 8 : i32
    %eq3A = arith.constant 0 : i32
    %eq3A_18 = arith.cmpi eq, %jit3A_17, %eq3A : i32
    %jit3A_19 = arith.constant 1 : i32
    %select_n3A_20 = arith.select %eq3A_18, %jit3A_19, %jit3A_17 : i32
    %rem3A_21 = arith.remsi %add3A, %select_n3A_20 : i32
    %ne3A_22 = arith.constant 0 : i32
    %ne3A_23 = arith.cmpi ne, %rem3A_21, %ne3A_22 : i32
    %lt3A = arith.constant 0 : i32
    %lt3A_24 = arith.cmpi slt, %rem3A_21, %lt3A : i32
    %lt3A_25 = arith.constant 0 : i32
    %lt3A_26 = arith.cmpi slt, %select_n3A_20, %lt3A_25 : i32
    %ne3A_27 = arith.xori %lt3A_24, %lt3A_26 : i1
    %and3A_28 = arith.andi %ne3A_27, %ne3A_23 : i1
    %add3A_29 = arith.addi %rem3A_21, %select_n3A_20 : i32
    %select_n3A_30 = arith.select %and3A_28, %add3A_29, %rem3A_21 : i32
    %mul3A_31 = arith.constant 1024 : i32
    %mul3A_32 = arith.muli %select_n3A_30, %mul3A_31 : i32
    "tpu.region"() ({
      %run_scoped3A = tpu.sem_alloc : memref<!tpu.dma_semaphore, #tpu.memory_space<semaphore_mem>>
      %dma_start3A = tpu.memref_slice %arg2[%select_n3A, %mul3A_32] : memref<4x8192xi32, #tpu.memory_space<hbm>> -> memref<1x1024xi32, #tpu.memory_space<hbm>>
      %dma_start3A_39 = tpu.memref_squeeze %dma_start3A : memref<1x1024xi32, #tpu.memory_space<hbm>> -> memref<1024xi32, #tpu.memory_space<hbm>>
      %dma_start3A_40 = tpu.memref_slice %arg2[%select_n3A, %mul3A_32] : memref<4x8192xi32, #tpu.memory_space<hbm>> -> memref<1x1024xi32, #tpu.memory_space<hbm>>
      %dma_start3A_41 = tpu.memref_squeeze %dma_start3A_40 : memref<1x1024xi32, #tpu.memory_space<hbm>> -> memref<1024xi32, #tpu.memory_space<hbm>>
      tpu.enqueue_dma source(%dma_start3A_41 : memref<1024xi32, #tpu.memory_space<hbm>>) target(%arg4 : memref<1024xi32, #tpu.memory_space<vmem>>) target_semaphore(%run_scoped3A : memref<!tpu.dma_semaphore, #tpu.memory_space<semaphore_mem>>)
      %dma_wait3A = tpu.memref_slice %arg2[%select_n3A, %mul3A_32] : memref<4x8192xi32, #tpu.memory_space<hbm>> -> memref<1x1024xi32, #tpu.memory_space<hbm>>
      %dma_wait3A_42 = tpu.memref_squeeze %dma_wait3A : memref<1x1024xi32, #tpu.memory_space<hbm>> -> memref<1024xi32, #tpu.memory_space<hbm>>
      %dma_wait3A_43 = tpu.memref_slice %arg2[%select_n3A, %mul3A_32] : memref<4x8192xi32, #tpu.memory_space<hbm>> -> memref<1x1024xi32, #tpu.memory_space<hbm>>
      %dma_wait3A_44 = tpu.memref_squeeze %dma_wait3A_43 : memref<1x1024xi32, #tpu.memory_space<hbm>> -> memref<1024xi32, #tpu.memory_space<hbm>>
      tpu.wait_dma2 semaphore(%run_scoped3A : memref<!tpu.dma_semaphore, #tpu.memory_space<semaphore_mem>>) src(%dma_wait3A_44 : memref<1024xi32, #tpu.memory_space<hbm>>) dst(%arg4 : memref<1024xi32, #tpu.memory_space<vmem>>)
      tpu.yield
    }) : () -> ()
    %scan3A = arith.constant 0 : i32
    %scan3A_33 = arith.constant 0 : i32
    %scan3A_34 = arith.constant 64 : i32
    %scan3A_35 = arith.addi %scan3A_33, %scan3A_34 : i32
    %scan3A_36 = arith.constant 1 : i32
    %scan3A_37 = scf.for %scan3A_39 = %scan3A_33 to %scan3A_35 step %scan3A_36 iter_args(%scan3A_40 = %scan3A) -> (i32)  : i32 {
      %mul3A_41 = arith.constant 16 : i32
      %mul3A_42 = arith.muli %scan3A_39, %mul3A_41 : i32
      %get3A = arith.index_cast %mul3A_42 : i32 to index
      %get3A_43 = tpu.vector_load %arg4[%get3A] {strides = array<i32>} : memref<1024xi32, #tpu.memory_space<vmem>>, vector<16xi32>,
      %get3A_44 = vector.shape_cast %get3A_43 : vector<16xi32> to vector<16xi32>
      %eq3A_45 = arith.constant 0 : i32
      %eq3A_46 = vector.broadcast %eq3A_45 : i32 to vector<16xi32>
      %eq3A_47 = arith.cmpi eq, %get3A_44, %eq3A_46 : vector<16xi32>
      %jit3A_48 = arith.constant 1 : i32
      %jit3A_49 = arith.constant 0 : i32
      %broadcast_in_dim3A = vector.broadcast %jit3A_48 : i32 to vector<16xi32>
      %broadcast_in_dim3A_50 = vector.broadcast %jit3A_49 : i32 to vector<16xi32>
      %select_n3A_51 = arith.select %eq3A_47, %broadcast_in_dim3A, %broadcast_in_dim3A_50 : vector<16xi1>, vector<16xi32>
      %mul3A_52 = arith.constant 16 : i32
      %mul3A_53 = arith.muli %scan3A_39, %mul3A_52 : i32
      %swap3A = arith.index_cast %mul3A_53 : i32 to index
      %swap3A_54 = tpu.vector_load %arg5[%swap3A] {strides = array<i32>} : memref<1024xi32, #tpu.memory_space<vmem>>, vector<16xi32>,
      %swap3A_55 = vector.shape_cast %swap3A_54 : vector<16xi32> to vector<16xi32>
      %swap3A_56 = vector.shape_cast %select_n3A_51 : vector<16xi32> to vector<16xi32>
      tpu.vector_store %arg5[%swap3A], %swap3A_56 {strides = array<i32>} : memref<1024xi32, #tpu.memory_space<vmem>>, vector<16xi32>,
      %scan3A_57 = arith.constant 0 : i32
      scf.yield %scan3A_57 : i32
    }
    %scan3A_38 = arith.constant 64 : i32
    "tpu.region"() ({
      %run_scoped3A = tpu.sem_alloc : memref<!tpu.dma_semaphore, #tpu.memory_space<semaphore_mem>>
      %dma_start3A = tpu.memref_slice %arg3[%select_n3A, %mul3A_32] : memref<4x8192xi32, #tpu.memory_space<hbm>> -> memref<1x1024xi32, #tpu.memory_space<hbm>>
      %dma_start3A_39 = tpu.memref_squeeze %dma_start3A : memref<1x1024xi32, #tpu.memory_space<hbm>> -> memref<1024xi32, #tpu.memory_space<hbm>>
      %dma_start3A_40 = tpu.memref_slice %arg3[%select_n3A, %mul3A_32] : memref<4x8192xi32, #tpu.memory_space<hbm>> -> memref<1x1024xi32, #tpu.memory_space<hbm>>
      %dma_start3A_41 = tpu.memref_squeeze %dma_start3A_40 : memref<1x1024xi32, #tpu.memory_space<hbm>> -> memref<1024xi32, #tpu.memory_space<hbm>>
      tpu.enqueue_dma source(%arg5 : memref<1024xi32, #tpu.memory_space<vmem>>) target(%dma_start3A_41 : memref<1024xi32, #tpu.memory_space<hbm>>) target_semaphore(%run_scoped3A : memref<!tpu.dma_semaphore, #tpu.memory_space<semaphore_mem>>)
      %dma_wait3A = tpu.memref_slice %arg3[%select_n3A, %mul3A_32] : memref<4x8192xi32, #tpu.memory_space<hbm>> -> memref<1x1024xi32, #tpu.memory_space<hbm>>
      %dma_wait3A_42 = tpu.memref_squeeze %dma_wait3A : memref<1x1024xi32, #tpu.memory_space<hbm>> -> memref<1024xi32, #tpu.memory_space<hbm>>
      %dma_wait3A_43 = tpu.memref_slice %arg3[%select_n3A, %mul3A_32] : memref<4x8192xi32, #tpu.memory_space<hbm>> -> memref<1x1024xi32, #tpu.memory_space<hbm>>
      %dma_wait3A_44 = tpu.memref_squeeze %dma_wait3A_43 : memref<1x1024xi32, #tpu.memory_space<hbm>> -> memref<1024xi32, #tpu.memory_space<hbm>>
      tpu.wait_dma2 semaphore(%run_scoped3A : memref<!tpu.dma_semaphore, #tpu.memory_space<semaphore_mem>>) src(%arg5 : memref<1024xi32, #tpu.memory_space<vmem>>) dst(%dma_wait3A_44 : memref<1024xi32, #tpu.memory_space<hbm>>)
      tpu.yield
    }) : () -> ()
    return
  }
}

module attributes {stable_mosaic.version = 14 : i64} {
  func.func @_bcast_body(%arg0: memref<8192x1024xf32, #tpu.memory_space<any>>, %arg1: memref<4x8192x1024xf32, #tpu.memory_space<any>>, %arg2: memref<8192x1024xf32, #tpu.memory_space<vmem>>, %arg3: memref<8x!tpu.dma_semaphore, #tpu.memory_space<semaphore_mem>>, %arg4: memref<8x4x!tpu.dma_semaphore, #tpu.memory_space<semaphore_mem>>) attributes {dimension_semantics = [], scalar_prefetch = 0 : i64, scratch_operands = 3 : i64, tpu.core_type = #tpu.core_type<tc>} {
    %dma_start3A = arith.constant 0 : i32
    %dma_start3A_0 = tpu.memref_slice %arg3[%dma_start3A] : memref<8x!tpu.dma_semaphore, #tpu.memory_space<semaphore_mem>> -> memref<1x!tpu.dma_semaphore, #tpu.memory_space<semaphore_mem>>
    %dma_start3A_1 = tpu.memref_squeeze %dma_start3A_0 : memref<1x!tpu.dma_semaphore, #tpu.memory_space<semaphore_mem>> -> memref<!tpu.dma_semaphore, #tpu.memory_space<semaphore_mem>>
    %dma_start3A_2 = arith.constant 0 : i32
    %dma_start3A_3 = arith.constant 0 : i32
    %dma_start3A_4 = tpu.memref_slice %arg2[%dma_start3A_2, %dma_start3A_3] : memref<8192x1024xf32, #tpu.memory_space<vmem>> -> memref<1024x1024xf32, #tpu.memory_space<vmem>>
    %dma_start3A_5 = arith.constant 0 : i32
    %dma_start3A_6 = arith.constant 0 : i32
    %dma_start3A_7 = tpu.memref_slice %arg0[%dma_start3A_5, %dma_start3A_6] : memref<8192x1024xf32, #tpu.memory_space<any>> -> memref<1024x1024xf32, #tpu.memory_space<any>>
    tpu.enqueue_dma source(%dma_start3A_7 : memref<1024x1024xf32, #tpu.memory_space<any>>) target(%dma_start3A_4 : memref<1024x1024xf32, #tpu.memory_space<vmem>>) target_semaphore(%dma_start3A_1 : memref<!tpu.dma_semaphore, #tpu.memory_space<semaphore_mem>>)
    %dma_start3A_8 = arith.constant 1 : i32
    %dma_start3A_9 = tpu.memref_slice %arg3[%dma_start3A_8] : memref<8x!tpu.dma_semaphore, #tpu.memory_space<semaphore_mem>> -> memref<1x!tpu.dma_semaphore, #tpu.memory_space<semaphore_mem>>
    %dma_start3A_10 = tpu.memref_squeeze %dma_start3A_9 : memref<1x!tpu.dma_semaphore, #tpu.memory_space<semaphore_mem>> -> memref<!tpu.dma_semaphore, #tpu.memory_space<semaphore_mem>>
    %dma_start3A_11 = arith.constant 1024 : i32
    %dma_start3A_12 = arith.constant 0 : i32
    %dma_start3A_13 = tpu.memref_slice %arg2[%dma_start3A_11, %dma_start3A_12] : memref<8192x1024xf32, #tpu.memory_space<vmem>> -> memref<1024x1024xf32, #tpu.memory_space<vmem>>
    %dma_start3A_14 = arith.constant 1024 : i32
    %dma_start3A_15 = arith.constant 0 : i32
    %dma_start3A_16 = tpu.memref_slice %arg0[%dma_start3A_14, %dma_start3A_15] : memref<8192x1024xf32, #tpu.memory_space<any>> -> memref<1024x1024xf32, #tpu.memory_space<any>>
    tpu.enqueue_dma source(%dma_start3A_16 : memref<1024x1024xf32, #tpu.memory_space<any>>) target(%dma_start3A_13 : memref<1024x1024xf32, #tpu.memory_space<vmem>>) target_semaphore(%dma_start3A_10 : memref<!tpu.dma_semaphore, #tpu.memory_space<semaphore_mem>>)
    %dma_start3A_17 = arith.constant 2 : i32
    %dma_start3A_18 = tpu.memref_slice %arg3[%dma_start3A_17] : memref<8x!tpu.dma_semaphore, #tpu.memory_space<semaphore_mem>> -> memref<1x!tpu.dma_semaphore, #tpu.memory_space<semaphore_mem>>
    %dma_start3A_19 = tpu.memref_squeeze %dma_start3A_18 : memref<1x!tpu.dma_semaphore, #tpu.memory_space<semaphore_mem>> -> memref<!tpu.dma_semaphore, #tpu.memory_space<semaphore_mem>>
    %dma_start3A_20 = arith.constant 2048 : i32
    %dma_start3A_21 = arith.constant 0 : i32
    %dma_start3A_22 = tpu.memref_slice %arg2[%dma_start3A_20, %dma_start3A_21] : memref<8192x1024xf32, #tpu.memory_space<vmem>> -> memref<1024x1024xf32, #tpu.memory_space<vmem>>
    %dma_start3A_23 = arith.constant 2048 : i32
    %dma_start3A_24 = arith.constant 0 : i32
    %dma_start3A_25 = tpu.memref_slice %arg0[%dma_start3A_23, %dma_start3A_24] : memref<8192x1024xf32, #tpu.memory_space<any>> -> memref<1024x1024xf32, #tpu.memory_space<any>>
    tpu.enqueue_dma source(%dma_start3A_25 : memref<1024x1024xf32, #tpu.memory_space<any>>) target(%dma_start3A_22 : memref<1024x1024xf32, #tpu.memory_space<vmem>>) target_semaphore(%dma_start3A_19 : memref<!tpu.dma_semaphore, #tpu.memory_space<semaphore_mem>>)
    %dma_start3A_26 = arith.constant 3 : i32
    %dma_start3A_27 = tpu.memref_slice %arg3[%dma_start3A_26] : memref<8x!tpu.dma_semaphore, #tpu.memory_space<semaphore_mem>> -> memref<1x!tpu.dma_semaphore, #tpu.memory_space<semaphore_mem>>
    %dma_start3A_28 = tpu.memref_squeeze %dma_start3A_27 : memref<1x!tpu.dma_semaphore, #tpu.memory_space<semaphore_mem>> -> memref<!tpu.dma_semaphore, #tpu.memory_space<semaphore_mem>>
    %dma_start3A_29 = arith.constant 3072 : i32
    %dma_start3A_30 = arith.constant 0 : i32
    %dma_start3A_31 = tpu.memref_slice %arg2[%dma_start3A_29, %dma_start3A_30] : memref<8192x1024xf32, #tpu.memory_space<vmem>> -> memref<1024x1024xf32, #tpu.memory_space<vmem>>
    %dma_start3A_32 = arith.constant 3072 : i32
    %dma_start3A_33 = arith.constant 0 : i32
    %dma_start3A_34 = tpu.memref_slice %arg0[%dma_start3A_32, %dma_start3A_33] : memref<8192x1024xf32, #tpu.memory_space<any>> -> memref<1024x1024xf32, #tpu.memory_space<any>>
    tpu.enqueue_dma source(%dma_start3A_34 : memref<1024x1024xf32, #tpu.memory_space<any>>) target(%dma_start3A_31 : memref<1024x1024xf32, #tpu.memory_space<vmem>>) target_semaphore(%dma_start3A_28 : memref<!tpu.dma_semaphore, #tpu.memory_space<semaphore_mem>>)
    %dma_start3A_35 = arith.constant 4 : i32
    %dma_start3A_36 = tpu.memref_slice %arg3[%dma_start3A_35] : memref<8x!tpu.dma_semaphore, #tpu.memory_space<semaphore_mem>> -> memref<1x!tpu.dma_semaphore, #tpu.memory_space<semaphore_mem>>
    %dma_start3A_37 = tpu.memref_squeeze %dma_start3A_36 : memref<1x!tpu.dma_semaphore, #tpu.memory_space<semaphore_mem>> -> memref<!tpu.dma_semaphore, #tpu.memory_space<semaphore_mem>>
    %dma_start3A_38 = arith.constant 4096 : i32
    %dma_start3A_39 = arith.constant 0 : i32
    %dma_start3A_40 = tpu.memref_slice %arg2[%dma_start3A_38, %dma_start3A_39] : memref<8192x1024xf32, #tpu.memory_space<vmem>> -> memref<1024x1024xf32, #tpu.memory_space<vmem>>
    %dma_start3A_41 = arith.constant 4096 : i32
    %dma_start3A_42 = arith.constant 0 : i32
    %dma_start3A_43 = tpu.memref_slice %arg0[%dma_start3A_41, %dma_start3A_42] : memref<8192x1024xf32, #tpu.memory_space<any>> -> memref<1024x1024xf32, #tpu.memory_space<any>>
    tpu.enqueue_dma source(%dma_start3A_43 : memref<1024x1024xf32, #tpu.memory_space<any>>) target(%dma_start3A_40 : memref<1024x1024xf32, #tpu.memory_space<vmem>>) target_semaphore(%dma_start3A_37 : memref<!tpu.dma_semaphore, #tpu.memory_space<semaphore_mem>>)
    %dma_start3A_44 = arith.constant 5 : i32
    %dma_start3A_45 = tpu.memref_slice %arg3[%dma_start3A_44] : memref<8x!tpu.dma_semaphore, #tpu.memory_space<semaphore_mem>> -> memref<1x!tpu.dma_semaphore, #tpu.memory_space<semaphore_mem>>
    %dma_start3A_46 = tpu.memref_squeeze %dma_start3A_45 : memref<1x!tpu.dma_semaphore, #tpu.memory_space<semaphore_mem>> -> memref<!tpu.dma_semaphore, #tpu.memory_space<semaphore_mem>>
    %dma_start3A_47 = arith.constant 5120 : i32
    %dma_start3A_48 = arith.constant 0 : i32
    %dma_start3A_49 = tpu.memref_slice %arg2[%dma_start3A_47, %dma_start3A_48] : memref<8192x1024xf32, #tpu.memory_space<vmem>> -> memref<1024x1024xf32, #tpu.memory_space<vmem>>
    %dma_start3A_50 = arith.constant 5120 : i32
    %dma_start3A_51 = arith.constant 0 : i32
    %dma_start3A_52 = tpu.memref_slice %arg0[%dma_start3A_50, %dma_start3A_51] : memref<8192x1024xf32, #tpu.memory_space<any>> -> memref<1024x1024xf32, #tpu.memory_space<any>>
    tpu.enqueue_dma source(%dma_start3A_52 : memref<1024x1024xf32, #tpu.memory_space<any>>) target(%dma_start3A_49 : memref<1024x1024xf32, #tpu.memory_space<vmem>>) target_semaphore(%dma_start3A_46 : memref<!tpu.dma_semaphore, #tpu.memory_space<semaphore_mem>>)
    %dma_start3A_53 = arith.constant 6 : i32
    %dma_start3A_54 = tpu.memref_slice %arg3[%dma_start3A_53] : memref<8x!tpu.dma_semaphore, #tpu.memory_space<semaphore_mem>> -> memref<1x!tpu.dma_semaphore, #tpu.memory_space<semaphore_mem>>
    %dma_start3A_55 = tpu.memref_squeeze %dma_start3A_54 : memref<1x!tpu.dma_semaphore, #tpu.memory_space<semaphore_mem>> -> memref<!tpu.dma_semaphore, #tpu.memory_space<semaphore_mem>>
    %dma_start3A_56 = arith.constant 6144 : i32
    %dma_start3A_57 = arith.constant 0 : i32
    %dma_start3A_58 = tpu.memref_slice %arg2[%dma_start3A_56, %dma_start3A_57] : memref<8192x1024xf32, #tpu.memory_space<vmem>> -> memref<1024x1024xf32, #tpu.memory_space<vmem>>
    %dma_start3A_59 = arith.constant 6144 : i32
    %dma_start3A_60 = arith.constant 0 : i32
    %dma_start3A_61 = tpu.memref_slice %arg0[%dma_start3A_59, %dma_start3A_60] : memref<8192x1024xf32, #tpu.memory_space<any>> -> memref<1024x1024xf32, #tpu.memory_space<any>>
    tpu.enqueue_dma source(%dma_start3A_61 : memref<1024x1024xf32, #tpu.memory_space<any>>) target(%dma_start3A_58 : memref<1024x1024xf32, #tpu.memory_space<vmem>>) target_semaphore(%dma_start3A_55 : memref<!tpu.dma_semaphore, #tpu.memory_space<semaphore_mem>>)
    %dma_start3A_62 = arith.constant 7 : i32
    %dma_start3A_63 = tpu.memref_slice %arg3[%dma_start3A_62] : memref<8x!tpu.dma_semaphore, #tpu.memory_space<semaphore_mem>> -> memref<1x!tpu.dma_semaphore, #tpu.memory_space<semaphore_mem>>
    %dma_start3A_64 = tpu.memref_squeeze %dma_start3A_63 : memref<1x!tpu.dma_semaphore, #tpu.memory_space<semaphore_mem>> -> memref<!tpu.dma_semaphore, #tpu.memory_space<semaphore_mem>>
    %dma_start3A_65 = arith.constant 7168 : i32
    %dma_start3A_66 = arith.constant 0 : i32
    %dma_start3A_67 = tpu.memref_slice %arg2[%dma_start3A_65, %dma_start3A_66] : memref<8192x1024xf32, #tpu.memory_space<vmem>> -> memref<1024x1024xf32, #tpu.memory_space<vmem>>
    %dma_start3A_68 = arith.constant 7168 : i32
    %dma_start3A_69 = arith.constant 0 : i32
    %dma_start3A_70 = tpu.memref_slice %arg0[%dma_start3A_68, %dma_start3A_69] : memref<8192x1024xf32, #tpu.memory_space<any>> -> memref<1024x1024xf32, #tpu.memory_space<any>>
    tpu.enqueue_dma source(%dma_start3A_70 : memref<1024x1024xf32, #tpu.memory_space<any>>) target(%dma_start3A_67 : memref<1024x1024xf32, #tpu.memory_space<vmem>>) target_semaphore(%dma_start3A_64 : memref<!tpu.dma_semaphore, #tpu.memory_space<semaphore_mem>>)
    %dma_wait3A = arith.constant 0 : i32
    %dma_wait3A_71 = tpu.memref_slice %arg3[%dma_wait3A] : memref<8x!tpu.dma_semaphore, #tpu.memory_space<semaphore_mem>> -> memref<1x!tpu.dma_semaphore, #tpu.memory_space<semaphore_mem>>
    %dma_wait3A_72 = tpu.memref_squeeze %dma_wait3A_71 : memref<1x!tpu.dma_semaphore, #tpu.memory_space<semaphore_mem>> -> memref<!tpu.dma_semaphore, #tpu.memory_space<semaphore_mem>>
    %dma_wait3A_73 = arith.constant 0 : i32
    %dma_wait3A_74 = arith.constant 0 : i32
    %dma_wait3A_75 = tpu.memref_slice %arg2[%dma_wait3A_73, %dma_wait3A_74] : memref<8192x1024xf32, #tpu.memory_space<vmem>> -> memref<1024x1024xf32, #tpu.memory_space<vmem>>
    %dma_wait3A_76 = arith.constant 0 : i32
    %dma_wait3A_77 = arith.constant 0 : i32
    %dma_wait3A_78 = tpu.memref_slice %arg0[%dma_wait3A_76, %dma_wait3A_77] : memref<8192x1024xf32, #tpu.memory_space<any>> -> memref<1024x1024xf32, #tpu.memory_space<any>>
    tpu.wait_dma2 semaphore(%dma_wait3A_72 : memref<!tpu.dma_semaphore, #tpu.memory_space<semaphore_mem>>) src(%dma_wait3A_78 : memref<1024x1024xf32, #tpu.memory_space<any>>) dst(%dma_wait3A_75 : memref<1024x1024xf32, #tpu.memory_space<vmem>>)
    %dma_start3A_79 = arith.constant 0 : i32
    %dma_start3A_80 = arith.constant 0 : i32
    %dma_start3A_81 = arith.constant 0 : i32
    %dma_start3A_82 = tpu.memref_slice %arg4[%dma_start3A_80, %dma_start3A_81] : memref<8x4x!tpu.dma_semaphore, #tpu.memory_space<semaphore_mem>> -> memref<1x1x!tpu.dma_semaphore, #tpu.memory_space<semaphore_mem>>
    %dma_start3A_83 = tpu.memref_squeeze %dma_start3A_82 : memref<1x1x!tpu.dma_semaphore, #tpu.memory_space<semaphore_mem>> -> memref<!tpu.dma_semaphore, #tpu.memory_space<semaphore_mem>>
    %dma_start3A_84 = arith.constant 0 : i32
    %dma_start3A_85 = arith.constant 0 : i32
    %dma_start3A_86 = tpu.memref_slice %arg1[%dma_start3A_79, %dma_start3A_84, %dma_start3A_85] : memref<4x8192x1024xf32, #tpu.memory_space<any>> -> memref<1x1024x1024xf32, #tpu.memory_space<any>>
    %dma_start3A_87 = tpu.memref_squeeze %dma_start3A_86 : memref<1x1024x1024xf32, #tpu.memory_space<any>> -> memref<1024x1024xf32, #tpu.memory_space<any>>
    %dma_start3A_88 = arith.constant 0 : i32
    %dma_start3A_89 = arith.constant 0 : i32
    %dma_start3A_90 = tpu.memref_slice %arg2[%dma_start3A_88, %dma_start3A_89] : memref<8192x1024xf32, #tpu.memory_space<vmem>> -> memref<1024x1024xf32, #tpu.memory_space<vmem>>
    tpu.enqueue_dma source(%dma_start3A_90 : memref<1024x1024xf32, #tpu.memory_space<vmem>>) target(%dma_start3A_87 : memref<1024x1024xf32, #tpu.memory_space<any>>) target_semaphore(%dma_start3A_83 : memref<!tpu.dma_semaphore, #tpu.memory_space<semaphore_mem>>)
    %dma_start3A_91 = arith.constant 1 : i32
    %dma_start3A_92 = arith.constant 0 : i32
    %dma_start3A_93 = arith.constant 1 : i32
    %dma_start3A_94 = tpu.memref_slice %arg4[%dma_start3A_92, %dma_start3A_93] : memref<8x4x!tpu.dma_semaphore, #tpu.memory_space<semaphore_mem>> -> memref<1x1x!tpu.dma_semaphore, #tpu.memory_space<semaphore_mem>>
    %dma_start3A_95 = tpu.memref_squeeze %dma_start3A_94 : memref<1x1x!tpu.dma_semaphore, #tpu.memory_space<semaphore_mem>> -> memref<!tpu.dma_semaphore, #tpu.memory_space<semaphore_mem>>
    %dma_start3A_96 = arith.constant 0 : i32
    %dma_start3A_97 = arith.constant 0 : i32
    %dma_start3A_98 = tpu.memref_slice %arg1[%dma_start3A_91, %dma_start3A_96, %dma_start3A_97] : memref<4x8192x1024xf32, #tpu.memory_space<any>> -> memref<1x1024x1024xf32, #tpu.memory_space<any>>
    %dma_start3A_99 = tpu.memref_squeeze %dma_start3A_98 : memref<1x1024x1024xf32, #tpu.memory_space<any>> -> memref<1024x1024xf32, #tpu.memory_space<any>>
    %dma_start3A_100 = arith.constant 0 : i32
    %dma_start3A_101 = arith.constant 0 : i32
    %dma_start3A_102 = tpu.memref_slice %arg2[%dma_start3A_100, %dma_start3A_101] : memref<8192x1024xf32, #tpu.memory_space<vmem>> -> memref<1024x1024xf32, #tpu.memory_space<vmem>>
    tpu.enqueue_dma source(%dma_start3A_102 : memref<1024x1024xf32, #tpu.memory_space<vmem>>) target(%dma_start3A_99 : memref<1024x1024xf32, #tpu.memory_space<any>>) target_semaphore(%dma_start3A_95 : memref<!tpu.dma_semaphore, #tpu.memory_space<semaphore_mem>>)
    %dma_start3A_103 = arith.constant 2 : i32
    %dma_start3A_104 = arith.constant 0 : i32
    %dma_start3A_105 = arith.constant 2 : i32
    %dma_start3A_106 = tpu.memref_slice %arg4[%dma_start3A_104, %dma_start3A_105] : memref<8x4x!tpu.dma_semaphore, #tpu.memory_space<semaphore_mem>> -> memref<1x1x!tpu.dma_semaphore, #tpu.memory_space<semaphore_mem>>
    %dma_start3A_107 = tpu.memref_squeeze %dma_start3A_106 : memref<1x1x!tpu.dma_semaphore, #tpu.memory_space<semaphore_mem>> -> memref<!tpu.dma_semaphore, #tpu.memory_space<semaphore_mem>>
    %dma_start3A_108 = arith.constant 0 : i32
    %dma_start3A_109 = arith.constant 0 : i32
    %dma_start3A_110 = tpu.memref_slice %arg1[%dma_start3A_103, %dma_start3A_108, %dma_start3A_109] : memref<4x8192x1024xf32, #tpu.memory_space<any>> -> memref<1x1024x1024xf32, #tpu.memory_space<any>>
    %dma_start3A_111 = tpu.memref_squeeze %dma_start3A_110 : memref<1x1024x1024xf32, #tpu.memory_space<any>> -> memref<1024x1024xf32, #tpu.memory_space<any>>
    %dma_start3A_112 = arith.constant 0 : i32
    %dma_start3A_113 = arith.constant 0 : i32
    %dma_start3A_114 = tpu.memref_slice %arg2[%dma_start3A_112, %dma_start3A_113] : memref<8192x1024xf32, #tpu.memory_space<vmem>> -> memref<1024x1024xf32, #tpu.memory_space<vmem>>
    tpu.enqueue_dma source(%dma_start3A_114 : memref<1024x1024xf32, #tpu.memory_space<vmem>>) target(%dma_start3A_111 : memref<1024x1024xf32, #tpu.memory_space<any>>) target_semaphore(%dma_start3A_107 : memref<!tpu.dma_semaphore, #tpu.memory_space<semaphore_mem>>)
    %dma_start3A_115 = arith.constant 3 : i32
    %dma_start3A_116 = arith.constant 0 : i32
    %dma_start3A_117 = arith.constant 3 : i32
    %dma_start3A_118 = tpu.memref_slice %arg4[%dma_start3A_116, %dma_start3A_117] : memref<8x4x!tpu.dma_semaphore, #tpu.memory_space<semaphore_mem>> -> memref<1x1x!tpu.dma_semaphore, #tpu.memory_space<semaphore_mem>>
    %dma_start3A_119 = tpu.memref_squeeze %dma_start3A_118 : memref<1x1x!tpu.dma_semaphore, #tpu.memory_space<semaphore_mem>> -> memref<!tpu.dma_semaphore, #tpu.memory_space<semaphore_mem>>
    %dma_start3A_120 = arith.constant 0 : i32
    %dma_start3A_121 = arith.constant 0 : i32
    %dma_start3A_122 = tpu.memref_slice %arg1[%dma_start3A_115, %dma_start3A_120, %dma_start3A_121] : memref<4x8192x1024xf32, #tpu.memory_space<any>> -> memref<1x1024x1024xf32, #tpu.memory_space<any>>
    %dma_start3A_123 = tpu.memref_squeeze %dma_start3A_122 : memref<1x1024x1024xf32, #tpu.memory_space<any>> -> memref<1024x1024xf32, #tpu.memory_space<any>>
    %dma_start3A_124 = arith.constant 0 : i32
    %dma_start3A_125 = arith.constant 0 : i32
    %dma_start3A_126 = tpu.memref_slice %arg2[%dma_start3A_124, %dma_start3A_125] : memref<8192x1024xf32, #tpu.memory_space<vmem>> -> memref<1024x1024xf32, #tpu.memory_space<vmem>>
    tpu.enqueue_dma source(%dma_start3A_126 : memref<1024x1024xf32, #tpu.memory_space<vmem>>) target(%dma_start3A_123 : memref<1024x1024xf32, #tpu.memory_space<any>>) target_semaphore(%dma_start3A_119 : memref<!tpu.dma_semaphore, #tpu.memory_space<semaphore_mem>>)
    %dma_wait3A_127 = arith.constant 1 : i32
    %dma_wait3A_128 = tpu.memref_slice %arg3[%dma_wait3A_127] : memref<8x!tpu.dma_semaphore, #tpu.memory_space<semaphore_mem>> -> memref<1x!tpu.dma_semaphore, #tpu.memory_space<semaphore_mem>>
    %dma_wait3A_129 = tpu.memref_squeeze %dma_wait3A_128 : memref<1x!tpu.dma_semaphore, #tpu.memory_space<semaphore_mem>> -> memref<!tpu.dma_semaphore, #tpu.memory_space<semaphore_mem>>
    %dma_wait3A_130 = arith.constant 1024 : i32
    %dma_wait3A_131 = arith.constant 0 : i32
    %dma_wait3A_132 = tpu.memref_slice %arg2[%dma_wait3A_130, %dma_wait3A_131] : memref<8192x1024xf32, #tpu.memory_space<vmem>> -> memref<1024x1024xf32, #tpu.memory_space<vmem>>
    %dma_wait3A_133 = arith.constant 1024 : i32
    %dma_wait3A_134 = arith.constant 0 : i32
    %dma_wait3A_135 = tpu.memref_slice %arg0[%dma_wait3A_133, %dma_wait3A_134] : memref<8192x1024xf32, #tpu.memory_space<any>> -> memref<1024x1024xf32, #tpu.memory_space<any>>
    tpu.wait_dma2 semaphore(%dma_wait3A_129 : memref<!tpu.dma_semaphore, #tpu.memory_space<semaphore_mem>>) src(%dma_wait3A_135 : memref<1024x1024xf32, #tpu.memory_space<any>>) dst(%dma_wait3A_132 : memref<1024x1024xf32, #tpu.memory_space<vmem>>)
    %dma_start3A_136 = arith.constant 0 : i32
    %dma_start3A_137 = arith.constant 1 : i32
    %dma_start3A_138 = arith.constant 0 : i32
    %dma_start3A_139 = tpu.memref_slice %arg4[%dma_start3A_137, %dma_start3A_138] : memref<8x4x!tpu.dma_semaphore, #tpu.memory_space<semaphore_mem>> -> memref<1x1x!tpu.dma_semaphore, #tpu.memory_space<semaphore_mem>>
    %dma_start3A_140 = tpu.memref_squeeze %dma_start3A_139 : memref<1x1x!tpu.dma_semaphore, #tpu.memory_space<semaphore_mem>> -> memref<!tpu.dma_semaphore, #tpu.memory_space<semaphore_mem>>
    %dma_start3A_141 = arith.constant 1024 : i32
    %dma_start3A_142 = arith.constant 0 : i32
    %dma_start3A_143 = tpu.memref_slice %arg1[%dma_start3A_136, %dma_start3A_141, %dma_start3A_142] : memref<4x8192x1024xf32, #tpu.memory_space<any>> -> memref<1x1024x1024xf32, #tpu.memory_space<any>>
    %dma_start3A_144 = tpu.memref_squeeze %dma_start3A_143 : memref<1x1024x1024xf32, #tpu.memory_space<any>> -> memref<1024x1024xf32, #tpu.memory_space<any>>
    %dma_start3A_145 = arith.constant 1024 : i32
    %dma_start3A_146 = arith.constant 0 : i32
    %dma_start3A_147 = tpu.memref_slice %arg2[%dma_start3A_145, %dma_start3A_146] : memref<8192x1024xf32, #tpu.memory_space<vmem>> -> memref<1024x1024xf32, #tpu.memory_space<vmem>>
    tpu.enqueue_dma source(%dma_start3A_147 : memref<1024x1024xf32, #tpu.memory_space<vmem>>) target(%dma_start3A_144 : memref<1024x1024xf32, #tpu.memory_space<any>>) target_semaphore(%dma_start3A_140 : memref<!tpu.dma_semaphore, #tpu.memory_space<semaphore_mem>>)
    %dma_start3A_148 = arith.constant 1 : i32
    %dma_start3A_149 = arith.constant 1 : i32
    %dma_start3A_150 = arith.constant 1 : i32
    %dma_start3A_151 = tpu.memref_slice %arg4[%dma_start3A_149, %dma_start3A_150] : memref<8x4x!tpu.dma_semaphore, #tpu.memory_space<semaphore_mem>> -> memref<1x1x!tpu.dma_semaphore, #tpu.memory_space<semaphore_mem>>
    %dma_start3A_152 = tpu.memref_squeeze %dma_start3A_151 : memref<1x1x!tpu.dma_semaphore, #tpu.memory_space<semaphore_mem>> -> memref<!tpu.dma_semaphore, #tpu.memory_space<semaphore_mem>>
    %dma_start3A_153 = arith.constant 1024 : i32
    %dma_start3A_154 = arith.constant 0 : i32
    %dma_start3A_155 = tpu.memref_slice %arg1[%dma_start3A_148, %dma_start3A_153, %dma_start3A_154] : memref<4x8192x1024xf32, #tpu.memory_space<any>> -> memref<1x1024x1024xf32, #tpu.memory_space<any>>
    %dma_start3A_156 = tpu.memref_squeeze %dma_start3A_155 : memref<1x1024x1024xf32, #tpu.memory_space<any>> -> memref<1024x1024xf32, #tpu.memory_space<any>>
    %dma_start3A_157 = arith.constant 1024 : i32
    %dma_start3A_158 = arith.constant 0 : i32
    %dma_start3A_159 = tpu.memref_slice %arg2[%dma_start3A_157, %dma_start3A_158] : memref<8192x1024xf32, #tpu.memory_space<vmem>> -> memref<1024x1024xf32, #tpu.memory_space<vmem>>
    tpu.enqueue_dma source(%dma_start3A_159 : memref<1024x1024xf32, #tpu.memory_space<vmem>>) target(%dma_start3A_156 : memref<1024x1024xf32, #tpu.memory_space<any>>) target_semaphore(%dma_start3A_152 : memref<!tpu.dma_semaphore, #tpu.memory_space<semaphore_mem>>)
    %dma_start3A_160 = arith.constant 2 : i32
    %dma_start3A_161 = arith.constant 1 : i32
    %dma_start3A_162 = arith.constant 2 : i32
    %dma_start3A_163 = tpu.memref_slice %arg4[%dma_start3A_161, %dma_start3A_162] : memref<8x4x!tpu.dma_semaphore, #tpu.memory_space<semaphore_mem>> -> memref<1x1x!tpu.dma_semaphore, #tpu.memory_space<semaphore_mem>>
    %dma_start3A_164 = tpu.memref_squeeze %dma_start3A_163 : memref<1x1x!tpu.dma_semaphore, #tpu.memory_space<semaphore_mem>> -> memref<!tpu.dma_semaphore, #tpu.memory_space<semaphore_mem>>
    %dma_start3A_165 = arith.constant 1024 : i32
    %dma_start3A_166 = arith.constant 0 : i32
    %dma_start3A_167 = tpu.memref_slice %arg1[%dma_start3A_160, %dma_start3A_165, %dma_start3A_166] : memref<4x8192x1024xf32, #tpu.memory_space<any>> -> memref<1x1024x1024xf32, #tpu.memory_space<any>>
    %dma_start3A_168 = tpu.memref_squeeze %dma_start3A_167 : memref<1x1024x1024xf32, #tpu.memory_space<any>> -> memref<1024x1024xf32, #tpu.memory_space<any>>
    %dma_start3A_169 = arith.constant 1024 : i32
    %dma_start3A_170 = arith.constant 0 : i32
    %dma_start3A_171 = tpu.memref_slice %arg2[%dma_start3A_169, %dma_start3A_170] : memref<8192x1024xf32, #tpu.memory_space<vmem>> -> memref<1024x1024xf32, #tpu.memory_space<vmem>>
    tpu.enqueue_dma source(%dma_start3A_171 : memref<1024x1024xf32, #tpu.memory_space<vmem>>) target(%dma_start3A_168 : memref<1024x1024xf32, #tpu.memory_space<any>>) target_semaphore(%dma_start3A_164 : memref<!tpu.dma_semaphore, #tpu.memory_space<semaphore_mem>>)
    %dma_start3A_172 = arith.constant 3 : i32
    %dma_start3A_173 = arith.constant 1 : i32
    %dma_start3A_174 = arith.constant 3 : i32
    %dma_start3A_175 = tpu.memref_slice %arg4[%dma_start3A_173, %dma_start3A_174] : memref<8x4x!tpu.dma_semaphore, #tpu.memory_space<semaphore_mem>> -> memref<1x1x!tpu.dma_semaphore, #tpu.memory_space<semaphore_mem>>
    %dma_start3A_176 = tpu.memref_squeeze %dma_start3A_175 : memref<1x1x!tpu.dma_semaphore, #tpu.memory_space<semaphore_mem>> -> memref<!tpu.dma_semaphore, #tpu.memory_space<semaphore_mem>>
    %dma_start3A_177 = arith.constant 1024 : i32
    %dma_start3A_178 = arith.constant 0 : i32
    %dma_start3A_179 = tpu.memref_slice %arg1[%dma_start3A_172, %dma_start3A_177, %dma_start3A_178] : memref<4x8192x1024xf32, #tpu.memory_space<any>> -> memref<1x1024x1024xf32, #tpu.memory_space<any>>
    %dma_start3A_180 = tpu.memref_squeeze %dma_start3A_179 : memref<1x1024x1024xf32, #tpu.memory_space<any>> -> memref<1024x1024xf32, #tpu.memory_space<any>>
    %dma_start3A_181 = arith.constant 1024 : i32
    %dma_start3A_182 = arith.constant 0 : i32
    %dma_start3A_183 = tpu.memref_slice %arg2[%dma_start3A_181, %dma_start3A_182] : memref<8192x1024xf32, #tpu.memory_space<vmem>> -> memref<1024x1024xf32, #tpu.memory_space<vmem>>
    tpu.enqueue_dma source(%dma_start3A_183 : memref<1024x1024xf32, #tpu.memory_space<vmem>>) target(%dma_start3A_180 : memref<1024x1024xf32, #tpu.memory_space<any>>) target_semaphore(%dma_start3A_176 : memref<!tpu.dma_semaphore, #tpu.memory_space<semaphore_mem>>)
    %dma_wait3A_184 = arith.constant 2 : i32
    %dma_wait3A_185 = tpu.memref_slice %arg3[%dma_wait3A_184] : memref<8x!tpu.dma_semaphore, #tpu.memory_space<semaphore_mem>> -> memref<1x!tpu.dma_semaphore, #tpu.memory_space<semaphore_mem>>
    %dma_wait3A_186 = tpu.memref_squeeze %dma_wait3A_185 : memref<1x!tpu.dma_semaphore, #tpu.memory_space<semaphore_mem>> -> memref<!tpu.dma_semaphore, #tpu.memory_space<semaphore_mem>>
    %dma_wait3A_187 = arith.constant 2048 : i32
    %dma_wait3A_188 = arith.constant 0 : i32
    %dma_wait3A_189 = tpu.memref_slice %arg2[%dma_wait3A_187, %dma_wait3A_188] : memref<8192x1024xf32, #tpu.memory_space<vmem>> -> memref<1024x1024xf32, #tpu.memory_space<vmem>>
    %dma_wait3A_190 = arith.constant 2048 : i32
    %dma_wait3A_191 = arith.constant 0 : i32
    %dma_wait3A_192 = tpu.memref_slice %arg0[%dma_wait3A_190, %dma_wait3A_191] : memref<8192x1024xf32, #tpu.memory_space<any>> -> memref<1024x1024xf32, #tpu.memory_space<any>>
    tpu.wait_dma2 semaphore(%dma_wait3A_186 : memref<!tpu.dma_semaphore, #tpu.memory_space<semaphore_mem>>) src(%dma_wait3A_192 : memref<1024x1024xf32, #tpu.memory_space<any>>) dst(%dma_wait3A_189 : memref<1024x1024xf32, #tpu.memory_space<vmem>>)
    %dma_start3A_193 = arith.constant 0 : i32
    %dma_start3A_194 = arith.constant 2 : i32
    %dma_start3A_195 = arith.constant 0 : i32
    %dma_start3A_196 = tpu.memref_slice %arg4[%dma_start3A_194, %dma_start3A_195] : memref<8x4x!tpu.dma_semaphore, #tpu.memory_space<semaphore_mem>> -> memref<1x1x!tpu.dma_semaphore, #tpu.memory_space<semaphore_mem>>
    %dma_start3A_197 = tpu.memref_squeeze %dma_start3A_196 : memref<1x1x!tpu.dma_semaphore, #tpu.memory_space<semaphore_mem>> -> memref<!tpu.dma_semaphore, #tpu.memory_space<semaphore_mem>>
    %dma_start3A_198 = arith.constant 2048 : i32
    %dma_start3A_199 = arith.constant 0 : i32
    %dma_start3A_200 = tpu.memref_slice %arg1[%dma_start3A_193, %dma_start3A_198, %dma_start3A_199] : memref<4x8192x1024xf32, #tpu.memory_space<any>> -> memref<1x1024x1024xf32, #tpu.memory_space<any>>
    %dma_start3A_201 = tpu.memref_squeeze %dma_start3A_200 : memref<1x1024x1024xf32, #tpu.memory_space<any>> -> memref<1024x1024xf32, #tpu.memory_space<any>>
    %dma_start3A_202 = arith.constant 2048 : i32
    %dma_start3A_203 = arith.constant 0 : i32
    %dma_start3A_204 = tpu.memref_slice %arg2[%dma_start3A_202, %dma_start3A_203] : memref<8192x1024xf32, #tpu.memory_space<vmem>> -> memref<1024x1024xf32, #tpu.memory_space<vmem>>
    tpu.enqueue_dma source(%dma_start3A_204 : memref<1024x1024xf32, #tpu.memory_space<vmem>>) target(%dma_start3A_201 : memref<1024x1024xf32, #tpu.memory_space<any>>) target_semaphore(%dma_start3A_197 : memref<!tpu.dma_semaphore, #tpu.memory_space<semaphore_mem>>)
    %dma_start3A_205 = arith.constant 1 : i32
    %dma_start3A_206 = arith.constant 2 : i32
    %dma_start3A_207 = arith.constant 1 : i32
    %dma_start3A_208 = tpu.memref_slice %arg4[%dma_start3A_206, %dma_start3A_207] : memref<8x4x!tpu.dma_semaphore, #tpu.memory_space<semaphore_mem>> -> memref<1x1x!tpu.dma_semaphore, #tpu.memory_space<semaphore_mem>>
    %dma_start3A_209 = tpu.memref_squeeze %dma_start3A_208 : memref<1x1x!tpu.dma_semaphore, #tpu.memory_space<semaphore_mem>> -> memref<!tpu.dma_semaphore, #tpu.memory_space<semaphore_mem>>
    %dma_start3A_210 = arith.constant 2048 : i32
    %dma_start3A_211 = arith.constant 0 : i32
    %dma_start3A_212 = tpu.memref_slice %arg1[%dma_start3A_205, %dma_start3A_210, %dma_start3A_211] : memref<4x8192x1024xf32, #tpu.memory_space<any>> -> memref<1x1024x1024xf32, #tpu.memory_space<any>>
    %dma_start3A_213 = tpu.memref_squeeze %dma_start3A_212 : memref<1x1024x1024xf32, #tpu.memory_space<any>> -> memref<1024x1024xf32, #tpu.memory_space<any>>
    %dma_start3A_214 = arith.constant 2048 : i32
    %dma_start3A_215 = arith.constant 0 : i32
    %dma_start3A_216 = tpu.memref_slice %arg2[%dma_start3A_214, %dma_start3A_215] : memref<8192x1024xf32, #tpu.memory_space<vmem>> -> memref<1024x1024xf32, #tpu.memory_space<vmem>>
    tpu.enqueue_dma source(%dma_start3A_216 : memref<1024x1024xf32, #tpu.memory_space<vmem>>) target(%dma_start3A_213 : memref<1024x1024xf32, #tpu.memory_space<any>>) target_semaphore(%dma_start3A_209 : memref<!tpu.dma_semaphore, #tpu.memory_space<semaphore_mem>>)
    %dma_start3A_217 = arith.constant 2 : i32
    %dma_start3A_218 = arith.constant 2 : i32
    %dma_start3A_219 = arith.constant 2 : i32
    %dma_start3A_220 = tpu.memref_slice %arg4[%dma_start3A_218, %dma_start3A_219] : memref<8x4x!tpu.dma_semaphore, #tpu.memory_space<semaphore_mem>> -> memref<1x1x!tpu.dma_semaphore, #tpu.memory_space<semaphore_mem>>
    %dma_start3A_221 = tpu.memref_squeeze %dma_start3A_220 : memref<1x1x!tpu.dma_semaphore, #tpu.memory_space<semaphore_mem>> -> memref<!tpu.dma_semaphore, #tpu.memory_space<semaphore_mem>>
    %dma_start3A_222 = arith.constant 2048 : i32
    %dma_start3A_223 = arith.constant 0 : i32
    %dma_start3A_224 = tpu.memref_slice %arg1[%dma_start3A_217, %dma_start3A_222, %dma_start3A_223] : memref<4x8192x1024xf32, #tpu.memory_space<any>> -> memref<1x1024x1024xf32, #tpu.memory_space<any>>
    %dma_start3A_225 = tpu.memref_squeeze %dma_start3A_224 : memref<1x1024x1024xf32, #tpu.memory_space<any>> -> memref<1024x1024xf32, #tpu.memory_space<any>>
    %dma_start3A_226 = arith.constant 2048 : i32
    %dma_start3A_227 = arith.constant 0 : i32
    %dma_start3A_228 = tpu.memref_slice %arg2[%dma_start3A_226, %dma_start3A_227] : memref<8192x1024xf32, #tpu.memory_space<vmem>> -> memref<1024x1024xf32, #tpu.memory_space<vmem>>
    tpu.enqueue_dma source(%dma_start3A_228 : memref<1024x1024xf32, #tpu.memory_space<vmem>>) target(%dma_start3A_225 : memref<1024x1024xf32, #tpu.memory_space<any>>) target_semaphore(%dma_start3A_221 : memref<!tpu.dma_semaphore, #tpu.memory_space<semaphore_mem>>)
    %dma_start3A_229 = arith.constant 3 : i32
    %dma_start3A_230 = arith.constant 2 : i32
    %dma_start3A_231 = arith.constant 3 : i32
    %dma_start3A_232 = tpu.memref_slice %arg4[%dma_start3A_230, %dma_start3A_231] : memref<8x4x!tpu.dma_semaphore, #tpu.memory_space<semaphore_mem>> -> memref<1x1x!tpu.dma_semaphore, #tpu.memory_space<semaphore_mem>>
    %dma_start3A_233 = tpu.memref_squeeze %dma_start3A_232 : memref<1x1x!tpu.dma_semaphore, #tpu.memory_space<semaphore_mem>> -> memref<!tpu.dma_semaphore, #tpu.memory_space<semaphore_mem>>
    %dma_start3A_234 = arith.constant 2048 : i32
    %dma_start3A_235 = arith.constant 0 : i32
    %dma_start3A_236 = tpu.memref_slice %arg1[%dma_start3A_229, %dma_start3A_234, %dma_start3A_235] : memref<4x8192x1024xf32, #tpu.memory_space<any>> -> memref<1x1024x1024xf32, #tpu.memory_space<any>>
    %dma_start3A_237 = tpu.memref_squeeze %dma_start3A_236 : memref<1x1024x1024xf32, #tpu.memory_space<any>> -> memref<1024x1024xf32, #tpu.memory_space<any>>
    %dma_start3A_238 = arith.constant 2048 : i32
    %dma_start3A_239 = arith.constant 0 : i32
    %dma_start3A_240 = tpu.memref_slice %arg2[%dma_start3A_238, %dma_start3A_239] : memref<8192x1024xf32, #tpu.memory_space<vmem>> -> memref<1024x1024xf32, #tpu.memory_space<vmem>>
    tpu.enqueue_dma source(%dma_start3A_240 : memref<1024x1024xf32, #tpu.memory_space<vmem>>) target(%dma_start3A_237 : memref<1024x1024xf32, #tpu.memory_space<any>>) target_semaphore(%dma_start3A_233 : memref<!tpu.dma_semaphore, #tpu.memory_space<semaphore_mem>>)
    %dma_wait3A_241 = arith.constant 3 : i32
    %dma_wait3A_242 = tpu.memref_slice %arg3[%dma_wait3A_241] : memref<8x!tpu.dma_semaphore, #tpu.memory_space<semaphore_mem>> -> memref<1x!tpu.dma_semaphore, #tpu.memory_space<semaphore_mem>>
    %dma_wait3A_243 = tpu.memref_squeeze %dma_wait3A_242 : memref<1x!tpu.dma_semaphore, #tpu.memory_space<semaphore_mem>> -> memref<!tpu.dma_semaphore, #tpu.memory_space<semaphore_mem>>
    %dma_wait3A_244 = arith.constant 3072 : i32
    %dma_wait3A_245 = arith.constant 0 : i32
    %dma_wait3A_246 = tpu.memref_slice %arg2[%dma_wait3A_244, %dma_wait3A_245] : memref<8192x1024xf32, #tpu.memory_space<vmem>> -> memref<1024x1024xf32, #tpu.memory_space<vmem>>
    %dma_wait3A_247 = arith.constant 3072 : i32
    %dma_wait3A_248 = arith.constant 0 : i32
    %dma_wait3A_249 = tpu.memref_slice %arg0[%dma_wait3A_247, %dma_wait3A_248] : memref<8192x1024xf32, #tpu.memory_space<any>> -> memref<1024x1024xf32, #tpu.memory_space<any>>
    tpu.wait_dma2 semaphore(%dma_wait3A_243 : memref<!tpu.dma_semaphore, #tpu.memory_space<semaphore_mem>>) src(%dma_wait3A_249 : memref<1024x1024xf32, #tpu.memory_space<any>>) dst(%dma_wait3A_246 : memref<1024x1024xf32, #tpu.memory_space<vmem>>)
    %dma_start3A_250 = arith.constant 0 : i32
    %dma_start3A_251 = arith.constant 3 : i32
    %dma_start3A_252 = arith.constant 0 : i32
    %dma_start3A_253 = tpu.memref_slice %arg4[%dma_start3A_251, %dma_start3A_252] : memref<8x4x!tpu.dma_semaphore, #tpu.memory_space<semaphore_mem>> -> memref<1x1x!tpu.dma_semaphore, #tpu.memory_space<semaphore_mem>>
    %dma_start3A_254 = tpu.memref_squeeze %dma_start3A_253 : memref<1x1x!tpu.dma_semaphore, #tpu.memory_space<semaphore_mem>> -> memref<!tpu.dma_semaphore, #tpu.memory_space<semaphore_mem>>
    %dma_start3A_255 = arith.constant 3072 : i32
    %dma_start3A_256 = arith.constant 0 : i32
    %dma_start3A_257 = tpu.memref_slice %arg1[%dma_start3A_250, %dma_start3A_255, %dma_start3A_256] : memref<4x8192x1024xf32, #tpu.memory_space<any>> -> memref<1x1024x1024xf32, #tpu.memory_space<any>>
    %dma_start3A_258 = tpu.memref_squeeze %dma_start3A_257 : memref<1x1024x1024xf32, #tpu.memory_space<any>> -> memref<1024x1024xf32, #tpu.memory_space<any>>
    %dma_start3A_259 = arith.constant 3072 : i32
    %dma_start3A_260 = arith.constant 0 : i32
    %dma_start3A_261 = tpu.memref_slice %arg2[%dma_start3A_259, %dma_start3A_260] : memref<8192x1024xf32, #tpu.memory_space<vmem>> -> memref<1024x1024xf32, #tpu.memory_space<vmem>>
    tpu.enqueue_dma source(%dma_start3A_261 : memref<1024x1024xf32, #tpu.memory_space<vmem>>) target(%dma_start3A_258 : memref<1024x1024xf32, #tpu.memory_space<any>>) target_semaphore(%dma_start3A_254 : memref<!tpu.dma_semaphore, #tpu.memory_space<semaphore_mem>>)
    %dma_start3A_262 = arith.constant 1 : i32
    %dma_start3A_263 = arith.constant 3 : i32
    %dma_start3A_264 = arith.constant 1 : i32
    %dma_start3A_265 = tpu.memref_slice %arg4[%dma_start3A_263, %dma_start3A_264] : memref<8x4x!tpu.dma_semaphore, #tpu.memory_space<semaphore_mem>> -> memref<1x1x!tpu.dma_semaphore, #tpu.memory_space<semaphore_mem>>
    %dma_start3A_266 = tpu.memref_squeeze %dma_start3A_265 : memref<1x1x!tpu.dma_semaphore, #tpu.memory_space<semaphore_mem>> -> memref<!tpu.dma_semaphore, #tpu.memory_space<semaphore_mem>>
    %dma_start3A_267 = arith.constant 3072 : i32
    %dma_start3A_268 = arith.constant 0 : i32
    %dma_start3A_269 = tpu.memref_slice %arg1[%dma_start3A_262, %dma_start3A_267, %dma_start3A_268] : memref<4x8192x1024xf32, #tpu.memory_space<any>> -> memref<1x1024x1024xf32, #tpu.memory_space<any>>
    %dma_start3A_270 = tpu.memref_squeeze %dma_start3A_269 : memref<1x1024x1024xf32, #tpu.memory_space<any>> -> memref<1024x1024xf32, #tpu.memory_space<any>>
    %dma_start3A_271 = arith.constant 3072 : i32
    %dma_start3A_272 = arith.constant 0 : i32
    %dma_start3A_273 = tpu.memref_slice %arg2[%dma_start3A_271, %dma_start3A_272] : memref<8192x1024xf32, #tpu.memory_space<vmem>> -> memref<1024x1024xf32, #tpu.memory_space<vmem>>
    tpu.enqueue_dma source(%dma_start3A_273 : memref<1024x1024xf32, #tpu.memory_space<vmem>>) target(%dma_start3A_270 : memref<1024x1024xf32, #tpu.memory_space<any>>) target_semaphore(%dma_start3A_266 : memref<!tpu.dma_semaphore, #tpu.memory_space<semaphore_mem>>)
    %dma_start3A_274 = arith.constant 2 : i32
    %dma_start3A_275 = arith.constant 3 : i32
    %dma_start3A_276 = arith.constant 2 : i32
    %dma_start3A_277 = tpu.memref_slice %arg4[%dma_start3A_275, %dma_start3A_276] : memref<8x4x!tpu.dma_semaphore, #tpu.memory_space<semaphore_mem>> -> memref<1x1x!tpu.dma_semaphore, #tpu.memory_space<semaphore_mem>>
    %dma_start3A_278 = tpu.memref_squeeze %dma_start3A_277 : memref<1x1x!tpu.dma_semaphore, #tpu.memory_space<semaphore_mem>> -> memref<!tpu.dma_semaphore, #tpu.memory_space<semaphore_mem>>
    %dma_start3A_279 = arith.constant 3072 : i32
    %dma_start3A_280 = arith.constant 0 : i32
    %dma_start3A_281 = tpu.memref_slice %arg1[%dma_start3A_274, %dma_start3A_279, %dma_start3A_280] : memref<4x8192x1024xf32, #tpu.memory_space<any>> -> memref<1x1024x1024xf32, #tpu.memory_space<any>>
    %dma_start3A_282 = tpu.memref_squeeze %dma_start3A_281 : memref<1x1024x1024xf32, #tpu.memory_space<any>> -> memref<1024x1024xf32, #tpu.memory_space<any>>
    %dma_start3A_283 = arith.constant 3072 : i32
    %dma_start3A_284 = arith.constant 0 : i32
    %dma_start3A_285 = tpu.memref_slice %arg2[%dma_start3A_283, %dma_start3A_284] : memref<8192x1024xf32, #tpu.memory_space<vmem>> -> memref<1024x1024xf32, #tpu.memory_space<vmem>>
    tpu.enqueue_dma source(%dma_start3A_285 : memref<1024x1024xf32, #tpu.memory_space<vmem>>) target(%dma_start3A_282 : memref<1024x1024xf32, #tpu.memory_space<any>>) target_semaphore(%dma_start3A_278 : memref<!tpu.dma_semaphore, #tpu.memory_space<semaphore_mem>>)
    %dma_start3A_286 = arith.constant 3 : i32
    %dma_start3A_287 = arith.constant 3 : i32
    %dma_start3A_288 = arith.constant 3 : i32
    %dma_start3A_289 = tpu.memref_slice %arg4[%dma_start3A_287, %dma_start3A_288] : memref<8x4x!tpu.dma_semaphore, #tpu.memory_space<semaphore_mem>> -> memref<1x1x!tpu.dma_semaphore, #tpu.memory_space<semaphore_mem>>
    %dma_start3A_290 = tpu.memref_squeeze %dma_start3A_289 : memref<1x1x!tpu.dma_semaphore, #tpu.memory_space<semaphore_mem>> -> memref<!tpu.dma_semaphore, #tpu.memory_space<semaphore_mem>>
    %dma_start3A_291 = arith.constant 3072 : i32
    %dma_start3A_292 = arith.constant 0 : i32
    %dma_start3A_293 = tpu.memref_slice %arg1[%dma_start3A_286, %dma_start3A_291, %dma_start3A_292] : memref<4x8192x1024xf32, #tpu.memory_space<any>> -> memref<1x1024x1024xf32, #tpu.memory_space<any>>
    %dma_start3A_294 = tpu.memref_squeeze %dma_start3A_293 : memref<1x1024x1024xf32, #tpu.memory_space<any>> -> memref<1024x1024xf32, #tpu.memory_space<any>>
    %dma_start3A_295 = arith.constant 3072 : i32
    %dma_start3A_296 = arith.constant 0 : i32
    %dma_start3A_297 = tpu.memref_slice %arg2[%dma_start3A_295, %dma_start3A_296] : memref<8192x1024xf32, #tpu.memory_space<vmem>> -> memref<1024x1024xf32, #tpu.memory_space<vmem>>
    tpu.enqueue_dma source(%dma_start3A_297 : memref<1024x1024xf32, #tpu.memory_space<vmem>>) target(%dma_start3A_294 : memref<1024x1024xf32, #tpu.memory_space<any>>) target_semaphore(%dma_start3A_290 : memref<!tpu.dma_semaphore, #tpu.memory_space<semaphore_mem>>)
    %dma_wait3A_298 = arith.constant 4 : i32
    %dma_wait3A_299 = tpu.memref_slice %arg3[%dma_wait3A_298] : memref<8x!tpu.dma_semaphore, #tpu.memory_space<semaphore_mem>> -> memref<1x!tpu.dma_semaphore, #tpu.memory_space<semaphore_mem>>
    %dma_wait3A_300 = tpu.memref_squeeze %dma_wait3A_299 : memref<1x!tpu.dma_semaphore, #tpu.memory_space<semaphore_mem>> -> memref<!tpu.dma_semaphore, #tpu.memory_space<semaphore_mem>>
    %dma_wait3A_301 = arith.constant 4096 : i32
    %dma_wait3A_302 = arith.constant 0 : i32
    %dma_wait3A_303 = tpu.memref_slice %arg2[%dma_wait3A_301, %dma_wait3A_302] : memref<8192x1024xf32, #tpu.memory_space<vmem>> -> memref<1024x1024xf32, #tpu.memory_space<vmem>>
    %dma_wait3A_304 = arith.constant 4096 : i32
    %dma_wait3A_305 = arith.constant 0 : i32
    %dma_wait3A_306 = tpu.memref_slice %arg0[%dma_wait3A_304, %dma_wait3A_305] : memref<8192x1024xf32, #tpu.memory_space<any>> -> memref<1024x1024xf32, #tpu.memory_space<any>>
    tpu.wait_dma2 semaphore(%dma_wait3A_300 : memref<!tpu.dma_semaphore, #tpu.memory_space<semaphore_mem>>) src(%dma_wait3A_306 : memref<1024x1024xf32, #tpu.memory_space<any>>) dst(%dma_wait3A_303 : memref<1024x1024xf32, #tpu.memory_space<vmem>>)
    %dma_start3A_307 = arith.constant 0 : i32
    %dma_start3A_308 = arith.constant 4 : i32
    %dma_start3A_309 = arith.constant 0 : i32
    %dma_start3A_310 = tpu.memref_slice %arg4[%dma_start3A_308, %dma_start3A_309] : memref<8x4x!tpu.dma_semaphore, #tpu.memory_space<semaphore_mem>> -> memref<1x1x!tpu.dma_semaphore, #tpu.memory_space<semaphore_mem>>
    %dma_start3A_311 = tpu.memref_squeeze %dma_start3A_310 : memref<1x1x!tpu.dma_semaphore, #tpu.memory_space<semaphore_mem>> -> memref<!tpu.dma_semaphore, #tpu.memory_space<semaphore_mem>>
    %dma_start3A_312 = arith.constant 4096 : i32
    %dma_start3A_313 = arith.constant 0 : i32
    %dma_start3A_314 = tpu.memref_slice %arg1[%dma_start3A_307, %dma_start3A_312, %dma_start3A_313] : memref<4x8192x1024xf32, #tpu.memory_space<any>> -> memref<1x1024x1024xf32, #tpu.memory_space<any>>
    %dma_start3A_315 = tpu.memref_squeeze %dma_start3A_314 : memref<1x1024x1024xf32, #tpu.memory_space<any>> -> memref<1024x1024xf32, #tpu.memory_space<any>>
    %dma_start3A_316 = arith.constant 4096 : i32
    %dma_start3A_317 = arith.constant 0 : i32
    %dma_start3A_318 = tpu.memref_slice %arg2[%dma_start3A_316, %dma_start3A_317] : memref<8192x1024xf32, #tpu.memory_space<vmem>> -> memref<1024x1024xf32, #tpu.memory_space<vmem>>
    tpu.enqueue_dma source(%dma_start3A_318 : memref<1024x1024xf32, #tpu.memory_space<vmem>>) target(%dma_start3A_315 : memref<1024x1024xf32, #tpu.memory_space<any>>) target_semaphore(%dma_start3A_311 : memref<!tpu.dma_semaphore, #tpu.memory_space<semaphore_mem>>)
    %dma_start3A_319 = arith.constant 1 : i32
    %dma_start3A_320 = arith.constant 4 : i32
    %dma_start3A_321 = arith.constant 1 : i32
    %dma_start3A_322 = tpu.memref_slice %arg4[%dma_start3A_320, %dma_start3A_321] : memref<8x4x!tpu.dma_semaphore, #tpu.memory_space<semaphore_mem>> -> memref<1x1x!tpu.dma_semaphore, #tpu.memory_space<semaphore_mem>>
    %dma_start3A_323 = tpu.memref_squeeze %dma_start3A_322 : memref<1x1x!tpu.dma_semaphore, #tpu.memory_space<semaphore_mem>> -> memref<!tpu.dma_semaphore, #tpu.memory_space<semaphore_mem>>
    %dma_start3A_324 = arith.constant 4096 : i32
    %dma_start3A_325 = arith.constant 0 : i32
    %dma_start3A_326 = tpu.memref_slice %arg1[%dma_start3A_319, %dma_start3A_324, %dma_start3A_325] : memref<4x8192x1024xf32, #tpu.memory_space<any>> -> memref<1x1024x1024xf32, #tpu.memory_space<any>>
    %dma_start3A_327 = tpu.memref_squeeze %dma_start3A_326 : memref<1x1024x1024xf32, #tpu.memory_space<any>> -> memref<1024x1024xf32, #tpu.memory_space<any>>
    %dma_start3A_328 = arith.constant 4096 : i32
    %dma_start3A_329 = arith.constant 0 : i32
    %dma_start3A_330 = tpu.memref_slice %arg2[%dma_start3A_328, %dma_start3A_329] : memref<8192x1024xf32, #tpu.memory_space<vmem>> -> memref<1024x1024xf32, #tpu.memory_space<vmem>>
    tpu.enqueue_dma source(%dma_start3A_330 : memref<1024x1024xf32, #tpu.memory_space<vmem>>) target(%dma_start3A_327 : memref<1024x1024xf32, #tpu.memory_space<any>>) target_semaphore(%dma_start3A_323 : memref<!tpu.dma_semaphore, #tpu.memory_space<semaphore_mem>>)
    %dma_start3A_331 = arith.constant 2 : i32
    %dma_start3A_332 = arith.constant 4 : i32
    %dma_start3A_333 = arith.constant 2 : i32
    %dma_start3A_334 = tpu.memref_slice %arg4[%dma_start3A_332, %dma_start3A_333] : memref<8x4x!tpu.dma_semaphore, #tpu.memory_space<semaphore_mem>> -> memref<1x1x!tpu.dma_semaphore, #tpu.memory_space<semaphore_mem>>
    %dma_start3A_335 = tpu.memref_squeeze %dma_start3A_334 : memref<1x1x!tpu.dma_semaphore, #tpu.memory_space<semaphore_mem>> -> memref<!tpu.dma_semaphore, #tpu.memory_space<semaphore_mem>>
    %dma_start3A_336 = arith.constant 4096 : i32
    %dma_start3A_337 = arith.constant 0 : i32
    %dma_start3A_338 = tpu.memref_slice %arg1[%dma_start3A_331, %dma_start3A_336, %dma_start3A_337] : memref<4x8192x1024xf32, #tpu.memory_space<any>> -> memref<1x1024x1024xf32, #tpu.memory_space<any>>
    %dma_start3A_339 = tpu.memref_squeeze %dma_start3A_338 : memref<1x1024x1024xf32, #tpu.memory_space<any>> -> memref<1024x1024xf32, #tpu.memory_space<any>>
    %dma_start3A_340 = arith.constant 4096 : i32
    %dma_start3A_341 = arith.constant 0 : i32
    %dma_start3A_342 = tpu.memref_slice %arg2[%dma_start3A_340, %dma_start3A_341] : memref<8192x1024xf32, #tpu.memory_space<vmem>> -> memref<1024x1024xf32, #tpu.memory_space<vmem>>
    tpu.enqueue_dma source(%dma_start3A_342 : memref<1024x1024xf32, #tpu.memory_space<vmem>>) target(%dma_start3A_339 : memref<1024x1024xf32, #tpu.memory_space<any>>) target_semaphore(%dma_start3A_335 : memref<!tpu.dma_semaphore, #tpu.memory_space<semaphore_mem>>)
    %dma_start3A_343 = arith.constant 3 : i32
    %dma_start3A_344 = arith.constant 4 : i32
    %dma_start3A_345 = arith.constant 3 : i32
    %dma_start3A_346 = tpu.memref_slice %arg4[%dma_start3A_344, %dma_start3A_345] : memref<8x4x!tpu.dma_semaphore, #tpu.memory_space<semaphore_mem>> -> memref<1x1x!tpu.dma_semaphore, #tpu.memory_space<semaphore_mem>>
    %dma_start3A_347 = tpu.memref_squeeze %dma_start3A_346 : memref<1x1x!tpu.dma_semaphore, #tpu.memory_space<semaphore_mem>> -> memref<!tpu.dma_semaphore, #tpu.memory_space<semaphore_mem>>
    %dma_start3A_348 = arith.constant 4096 : i32
    %dma_start3A_349 = arith.constant 0 : i32
    %dma_start3A_350 = tpu.memref_slice %arg1[%dma_start3A_343, %dma_start3A_348, %dma_start3A_349] : memref<4x8192x1024xf32, #tpu.memory_space<any>> -> memref<1x1024x1024xf32, #tpu.memory_space<any>>
    %dma_start3A_351 = tpu.memref_squeeze %dma_start3A_350 : memref<1x1024x1024xf32, #tpu.memory_space<any>> -> memref<1024x1024xf32, #tpu.memory_space<any>>
    %dma_start3A_352 = arith.constant 4096 : i32
    %dma_start3A_353 = arith.constant 0 : i32
    %dma_start3A_354 = tpu.memref_slice %arg2[%dma_start3A_352, %dma_start3A_353] : memref<8192x1024xf32, #tpu.memory_space<vmem>> -> memref<1024x1024xf32, #tpu.memory_space<vmem>>
    tpu.enqueue_dma source(%dma_start3A_354 : memref<1024x1024xf32, #tpu.memory_space<vmem>>) target(%dma_start3A_351 : memref<1024x1024xf32, #tpu.memory_space<any>>) target_semaphore(%dma_start3A_347 : memref<!tpu.dma_semaphore, #tpu.memory_space<semaphore_mem>>)
    %dma_wait3A_355 = arith.constant 5 : i32
    %dma_wait3A_356 = tpu.memref_slice %arg3[%dma_wait3A_355] : memref<8x!tpu.dma_semaphore, #tpu.memory_space<semaphore_mem>> -> memref<1x!tpu.dma_semaphore, #tpu.memory_space<semaphore_mem>>
    %dma_wait3A_357 = tpu.memref_squeeze %dma_wait3A_356 : memref<1x!tpu.dma_semaphore, #tpu.memory_space<semaphore_mem>> -> memref<!tpu.dma_semaphore, #tpu.memory_space<semaphore_mem>>
    %dma_wait3A_358 = arith.constant 5120 : i32
    %dma_wait3A_359 = arith.constant 0 : i32
    %dma_wait3A_360 = tpu.memref_slice %arg2[%dma_wait3A_358, %dma_wait3A_359] : memref<8192x1024xf32, #tpu.memory_space<vmem>> -> memref<1024x1024xf32, #tpu.memory_space<vmem>>
    %dma_wait3A_361 = arith.constant 5120 : i32
    %dma_wait3A_362 = arith.constant 0 : i32
    %dma_wait3A_363 = tpu.memref_slice %arg0[%dma_wait3A_361, %dma_wait3A_362] : memref<8192x1024xf32, #tpu.memory_space<any>> -> memref<1024x1024xf32, #tpu.memory_space<any>>
    tpu.wait_dma2 semaphore(%dma_wait3A_357 : memref<!tpu.dma_semaphore, #tpu.memory_space<semaphore_mem>>) src(%dma_wait3A_363 : memref<1024x1024xf32, #tpu.memory_space<any>>) dst(%dma_wait3A_360 : memref<1024x1024xf32, #tpu.memory_space<vmem>>)
    %dma_start3A_364 = arith.constant 0 : i32
    %dma_start3A_365 = arith.constant 5 : i32
    %dma_start3A_366 = arith.constant 0 : i32
    %dma_start3A_367 = tpu.memref_slice %arg4[%dma_start3A_365, %dma_start3A_366] : memref<8x4x!tpu.dma_semaphore, #tpu.memory_space<semaphore_mem>> -> memref<1x1x!tpu.dma_semaphore, #tpu.memory_space<semaphore_mem>>
    %dma_start3A_368 = tpu.memref_squeeze %dma_start3A_367 : memref<1x1x!tpu.dma_semaphore, #tpu.memory_space<semaphore_mem>> -> memref<!tpu.dma_semaphore, #tpu.memory_space<semaphore_mem>>
    %dma_start3A_369 = arith.constant 5120 : i32
    %dma_start3A_370 = arith.constant 0 : i32
    %dma_start3A_371 = tpu.memref_slice %arg1[%dma_start3A_364, %dma_start3A_369, %dma_start3A_370] : memref<4x8192x1024xf32, #tpu.memory_space<any>> -> memref<1x1024x1024xf32, #tpu.memory_space<any>>
    %dma_start3A_372 = tpu.memref_squeeze %dma_start3A_371 : memref<1x1024x1024xf32, #tpu.memory_space<any>> -> memref<1024x1024xf32, #tpu.memory_space<any>>
    %dma_start3A_373 = arith.constant 5120 : i32
    %dma_start3A_374 = arith.constant 0 : i32
    %dma_start3A_375 = tpu.memref_slice %arg2[%dma_start3A_373, %dma_start3A_374] : memref<8192x1024xf32, #tpu.memory_space<vmem>> -> memref<1024x1024xf32, #tpu.memory_space<vmem>>
    tpu.enqueue_dma source(%dma_start3A_375 : memref<1024x1024xf32, #tpu.memory_space<vmem>>) target(%dma_start3A_372 : memref<1024x1024xf32, #tpu.memory_space<any>>) target_semaphore(%dma_start3A_368 : memref<!tpu.dma_semaphore, #tpu.memory_space<semaphore_mem>>)
    %dma_start3A_376 = arith.constant 1 : i32
    %dma_start3A_377 = arith.constant 5 : i32
    %dma_start3A_378 = arith.constant 1 : i32
    %dma_start3A_379 = tpu.memref_slice %arg4[%dma_start3A_377, %dma_start3A_378] : memref<8x4x!tpu.dma_semaphore, #tpu.memory_space<semaphore_mem>> -> memref<1x1x!tpu.dma_semaphore, #tpu.memory_space<semaphore_mem>>
    %dma_start3A_380 = tpu.memref_squeeze %dma_start3A_379 : memref<1x1x!tpu.dma_semaphore, #tpu.memory_space<semaphore_mem>> -> memref<!tpu.dma_semaphore, #tpu.memory_space<semaphore_mem>>
    %dma_start3A_381 = arith.constant 5120 : i32
    %dma_start3A_382 = arith.constant 0 : i32
    %dma_start3A_383 = tpu.memref_slice %arg1[%dma_start3A_376, %dma_start3A_381, %dma_start3A_382] : memref<4x8192x1024xf32, #tpu.memory_space<any>> -> memref<1x1024x1024xf32, #tpu.memory_space<any>>
    %dma_start3A_384 = tpu.memref_squeeze %dma_start3A_383 : memref<1x1024x1024xf32, #tpu.memory_space<any>> -> memref<1024x1024xf32, #tpu.memory_space<any>>
    %dma_start3A_385 = arith.constant 5120 : i32
    %dma_start3A_386 = arith.constant 0 : i32
    %dma_start3A_387 = tpu.memref_slice %arg2[%dma_start3A_385, %dma_start3A_386] : memref<8192x1024xf32, #tpu.memory_space<vmem>> -> memref<1024x1024xf32, #tpu.memory_space<vmem>>
    tpu.enqueue_dma source(%dma_start3A_387 : memref<1024x1024xf32, #tpu.memory_space<vmem>>) target(%dma_start3A_384 : memref<1024x1024xf32, #tpu.memory_space<any>>) target_semaphore(%dma_start3A_380 : memref<!tpu.dma_semaphore, #tpu.memory_space<semaphore_mem>>)
    %dma_start3A_388 = arith.constant 2 : i32
    %dma_start3A_389 = arith.constant 5 : i32
    %dma_start3A_390 = arith.constant 2 : i32
    %dma_start3A_391 = tpu.memref_slice %arg4[%dma_start3A_389, %dma_start3A_390] : memref<8x4x!tpu.dma_semaphore, #tpu.memory_space<semaphore_mem>> -> memref<1x1x!tpu.dma_semaphore, #tpu.memory_space<semaphore_mem>>
    %dma_start3A_392 = tpu.memref_squeeze %dma_start3A_391 : memref<1x1x!tpu.dma_semaphore, #tpu.memory_space<semaphore_mem>> -> memref<!tpu.dma_semaphore, #tpu.memory_space<semaphore_mem>>
    %dma_start3A_393 = arith.constant 5120 : i32
    %dma_start3A_394 = arith.constant 0 : i32
    %dma_start3A_395 = tpu.memref_slice %arg1[%dma_start3A_388, %dma_start3A_393, %dma_start3A_394] : memref<4x8192x1024xf32, #tpu.memory_space<any>> -> memref<1x1024x1024xf32, #tpu.memory_space<any>>
    %dma_start3A_396 = tpu.memref_squeeze %dma_start3A_395 : memref<1x1024x1024xf32, #tpu.memory_space<any>> -> memref<1024x1024xf32, #tpu.memory_space<any>>
    %dma_start3A_397 = arith.constant 5120 : i32
    %dma_start3A_398 = arith.constant 0 : i32
    %dma_start3A_399 = tpu.memref_slice %arg2[%dma_start3A_397, %dma_start3A_398] : memref<8192x1024xf32, #tpu.memory_space<vmem>> -> memref<1024x1024xf32, #tpu.memory_space<vmem>>
    tpu.enqueue_dma source(%dma_start3A_399 : memref<1024x1024xf32, #tpu.memory_space<vmem>>) target(%dma_start3A_396 : memref<1024x1024xf32, #tpu.memory_space<any>>) target_semaphore(%dma_start3A_392 : memref<!tpu.dma_semaphore, #tpu.memory_space<semaphore_mem>>)
    %dma_start3A_400 = arith.constant 3 : i32
    %dma_start3A_401 = arith.constant 5 : i32
    %dma_start3A_402 = arith.constant 3 : i32
    %dma_start3A_403 = tpu.memref_slice %arg4[%dma_start3A_401, %dma_start3A_402] : memref<8x4x!tpu.dma_semaphore, #tpu.memory_space<semaphore_mem>> -> memref<1x1x!tpu.dma_semaphore, #tpu.memory_space<semaphore_mem>>
    %dma_start3A_404 = tpu.memref_squeeze %dma_start3A_403 : memref<1x1x!tpu.dma_semaphore, #tpu.memory_space<semaphore_mem>> -> memref<!tpu.dma_semaphore, #tpu.memory_space<semaphore_mem>>
    %dma_start3A_405 = arith.constant 5120 : i32
    %dma_start3A_406 = arith.constant 0 : i32
    %dma_start3A_407 = tpu.memref_slice %arg1[%dma_start3A_400, %dma_start3A_405, %dma_start3A_406] : memref<4x8192x1024xf32, #tpu.memory_space<any>> -> memref<1x1024x1024xf32, #tpu.memory_space<any>>
    %dma_start3A_408 = tpu.memref_squeeze %dma_start3A_407 : memref<1x1024x1024xf32, #tpu.memory_space<any>> -> memref<1024x1024xf32, #tpu.memory_space<any>>
    %dma_start3A_409 = arith.constant 5120 : i32
    %dma_start3A_410 = arith.constant 0 : i32
    %dma_start3A_411 = tpu.memref_slice %arg2[%dma_start3A_409, %dma_start3A_410] : memref<8192x1024xf32, #tpu.memory_space<vmem>> -> memref<1024x1024xf32, #tpu.memory_space<vmem>>
    tpu.enqueue_dma source(%dma_start3A_411 : memref<1024x1024xf32, #tpu.memory_space<vmem>>) target(%dma_start3A_408 : memref<1024x1024xf32, #tpu.memory_space<any>>) target_semaphore(%dma_start3A_404 : memref<!tpu.dma_semaphore, #tpu.memory_space<semaphore_mem>>)
    %dma_wait3A_412 = arith.constant 6 : i32
    %dma_wait3A_413 = tpu.memref_slice %arg3[%dma_wait3A_412] : memref<8x!tpu.dma_semaphore, #tpu.memory_space<semaphore_mem>> -> memref<1x!tpu.dma_semaphore, #tpu.memory_space<semaphore_mem>>
    %dma_wait3A_414 = tpu.memref_squeeze %dma_wait3A_413 : memref<1x!tpu.dma_semaphore, #tpu.memory_space<semaphore_mem>> -> memref<!tpu.dma_semaphore, #tpu.memory_space<semaphore_mem>>
    %dma_wait3A_415 = arith.constant 6144 : i32
    %dma_wait3A_416 = arith.constant 0 : i32
    %dma_wait3A_417 = tpu.memref_slice %arg2[%dma_wait3A_415, %dma_wait3A_416] : memref<8192x1024xf32, #tpu.memory_space<vmem>> -> memref<1024x1024xf32, #tpu.memory_space<vmem>>
    %dma_wait3A_418 = arith.constant 6144 : i32
    %dma_wait3A_419 = arith.constant 0 : i32
    %dma_wait3A_420 = tpu.memref_slice %arg0[%dma_wait3A_418, %dma_wait3A_419] : memref<8192x1024xf32, #tpu.memory_space<any>> -> memref<1024x1024xf32, #tpu.memory_space<any>>
    tpu.wait_dma2 semaphore(%dma_wait3A_414 : memref<!tpu.dma_semaphore, #tpu.memory_space<semaphore_mem>>) src(%dma_wait3A_420 : memref<1024x1024xf32, #tpu.memory_space<any>>) dst(%dma_wait3A_417 : memref<1024x1024xf32, #tpu.memory_space<vmem>>)
    %dma_start3A_421 = arith.constant 0 : i32
    %dma_start3A_422 = arith.constant 6 : i32
    %dma_start3A_423 = arith.constant 0 : i32
    %dma_start3A_424 = tpu.memref_slice %arg4[%dma_start3A_422, %dma_start3A_423] : memref<8x4x!tpu.dma_semaphore, #tpu.memory_space<semaphore_mem>> -> memref<1x1x!tpu.dma_semaphore, #tpu.memory_space<semaphore_mem>>
    %dma_start3A_425 = tpu.memref_squeeze %dma_start3A_424 : memref<1x1x!tpu.dma_semaphore, #tpu.memory_space<semaphore_mem>> -> memref<!tpu.dma_semaphore, #tpu.memory_space<semaphore_mem>>
    %dma_start3A_426 = arith.constant 6144 : i32
    %dma_start3A_427 = arith.constant 0 : i32
    %dma_start3A_428 = tpu.memref_slice %arg1[%dma_start3A_421, %dma_start3A_426, %dma_start3A_427] : memref<4x8192x1024xf32, #tpu.memory_space<any>> -> memref<1x1024x1024xf32, #tpu.memory_space<any>>
    %dma_start3A_429 = tpu.memref_squeeze %dma_start3A_428 : memref<1x1024x1024xf32, #tpu.memory_space<any>> -> memref<1024x1024xf32, #tpu.memory_space<any>>
    %dma_start3A_430 = arith.constant 6144 : i32
    %dma_start3A_431 = arith.constant 0 : i32
    %dma_start3A_432 = tpu.memref_slice %arg2[%dma_start3A_430, %dma_start3A_431] : memref<8192x1024xf32, #tpu.memory_space<vmem>> -> memref<1024x1024xf32, #tpu.memory_space<vmem>>
    tpu.enqueue_dma source(%dma_start3A_432 : memref<1024x1024xf32, #tpu.memory_space<vmem>>) target(%dma_start3A_429 : memref<1024x1024xf32, #tpu.memory_space<any>>) target_semaphore(%dma_start3A_425 : memref<!tpu.dma_semaphore, #tpu.memory_space<semaphore_mem>>)
    %dma_start3A_433 = arith.constant 1 : i32
    %dma_start3A_434 = arith.constant 6 : i32
    %dma_start3A_435 = arith.constant 1 : i32
    %dma_start3A_436 = tpu.memref_slice %arg4[%dma_start3A_434, %dma_start3A_435] : memref<8x4x!tpu.dma_semaphore, #tpu.memory_space<semaphore_mem>> -> memref<1x1x!tpu.dma_semaphore, #tpu.memory_space<semaphore_mem>>
    %dma_start3A_437 = tpu.memref_squeeze %dma_start3A_436 : memref<1x1x!tpu.dma_semaphore, #tpu.memory_space<semaphore_mem>> -> memref<!tpu.dma_semaphore, #tpu.memory_space<semaphore_mem>>
    %dma_start3A_438 = arith.constant 6144 : i32
    %dma_start3A_439 = arith.constant 0 : i32
    %dma_start3A_440 = tpu.memref_slice %arg1[%dma_start3A_433, %dma_start3A_438, %dma_start3A_439] : memref<4x8192x1024xf32, #tpu.memory_space<any>> -> memref<1x1024x1024xf32, #tpu.memory_space<any>>
    %dma_start3A_441 = tpu.memref_squeeze %dma_start3A_440 : memref<1x1024x1024xf32, #tpu.memory_space<any>> -> memref<1024x1024xf32, #tpu.memory_space<any>>
    %dma_start3A_442 = arith.constant 6144 : i32
    %dma_start3A_443 = arith.constant 0 : i32
    %dma_start3A_444 = tpu.memref_slice %arg2[%dma_start3A_442, %dma_start3A_443] : memref<8192x1024xf32, #tpu.memory_space<vmem>> -> memref<1024x1024xf32, #tpu.memory_space<vmem>>
    tpu.enqueue_dma source(%dma_start3A_444 : memref<1024x1024xf32, #tpu.memory_space<vmem>>) target(%dma_start3A_441 : memref<1024x1024xf32, #tpu.memory_space<any>>) target_semaphore(%dma_start3A_437 : memref<!tpu.dma_semaphore, #tpu.memory_space<semaphore_mem>>)
    %dma_start3A_445 = arith.constant 2 : i32
    %dma_start3A_446 = arith.constant 6 : i32
    %dma_start3A_447 = arith.constant 2 : i32
    %dma_start3A_448 = tpu.memref_slice %arg4[%dma_start3A_446, %dma_start3A_447] : memref<8x4x!tpu.dma_semaphore, #tpu.memory_space<semaphore_mem>> -> memref<1x1x!tpu.dma_semaphore, #tpu.memory_space<semaphore_mem>>
    %dma_start3A_449 = tpu.memref_squeeze %dma_start3A_448 : memref<1x1x!tpu.dma_semaphore, #tpu.memory_space<semaphore_mem>> -> memref<!tpu.dma_semaphore, #tpu.memory_space<semaphore_mem>>
    %dma_start3A_450 = arith.constant 6144 : i32
    %dma_start3A_451 = arith.constant 0 : i32
    %dma_start3A_452 = tpu.memref_slice %arg1[%dma_start3A_445, %dma_start3A_450, %dma_start3A_451] : memref<4x8192x1024xf32, #tpu.memory_space<any>> -> memref<1x1024x1024xf32, #tpu.memory_space<any>>
    %dma_start3A_453 = tpu.memref_squeeze %dma_start3A_452 : memref<1x1024x1024xf32, #tpu.memory_space<any>> -> memref<1024x1024xf32, #tpu.memory_space<any>>
    %dma_start3A_454 = arith.constant 6144 : i32
    %dma_start3A_455 = arith.constant 0 : i32
    %dma_start3A_456 = tpu.memref_slice %arg2[%dma_start3A_454, %dma_start3A_455] : memref<8192x1024xf32, #tpu.memory_space<vmem>> -> memref<1024x1024xf32, #tpu.memory_space<vmem>>
    tpu.enqueue_dma source(%dma_start3A_456 : memref<1024x1024xf32, #tpu.memory_space<vmem>>) target(%dma_start3A_453 : memref<1024x1024xf32, #tpu.memory_space<any>>) target_semaphore(%dma_start3A_449 : memref<!tpu.dma_semaphore, #tpu.memory_space<semaphore_mem>>)
    %dma_start3A_457 = arith.constant 3 : i32
    %dma_start3A_458 = arith.constant 6 : i32
    %dma_start3A_459 = arith.constant 3 : i32
    %dma_start3A_460 = tpu.memref_slice %arg4[%dma_start3A_458, %dma_start3A_459] : memref<8x4x!tpu.dma_semaphore, #tpu.memory_space<semaphore_mem>> -> memref<1x1x!tpu.dma_semaphore, #tpu.memory_space<semaphore_mem>>
    %dma_start3A_461 = tpu.memref_squeeze %dma_start3A_460 : memref<1x1x!tpu.dma_semaphore, #tpu.memory_space<semaphore_mem>> -> memref<!tpu.dma_semaphore, #tpu.memory_space<semaphore_mem>>
    %dma_start3A_462 = arith.constant 6144 : i32
    %dma_start3A_463 = arith.constant 0 : i32
    %dma_start3A_464 = tpu.memref_slice %arg1[%dma_start3A_457, %dma_start3A_462, %dma_start3A_463] : memref<4x8192x1024xf32, #tpu.memory_space<any>> -> memref<1x1024x1024xf32, #tpu.memory_space<any>>
    %dma_start3A_465 = tpu.memref_squeeze %dma_start3A_464 : memref<1x1024x1024xf32, #tpu.memory_space<any>> -> memref<1024x1024xf32, #tpu.memory_space<any>>
    %dma_start3A_466 = arith.constant 6144 : i32
    %dma_start3A_467 = arith.constant 0 : i32
    %dma_start3A_468 = tpu.memref_slice %arg2[%dma_start3A_466, %dma_start3A_467] : memref<8192x1024xf32, #tpu.memory_space<vmem>> -> memref<1024x1024xf32, #tpu.memory_space<vmem>>
    tpu.enqueue_dma source(%dma_start3A_468 : memref<1024x1024xf32, #tpu.memory_space<vmem>>) target(%dma_start3A_465 : memref<1024x1024xf32, #tpu.memory_space<any>>) target_semaphore(%dma_start3A_461 : memref<!tpu.dma_semaphore, #tpu.memory_space<semaphore_mem>>)
    %dma_wait3A_469 = arith.constant 7 : i32
    %dma_wait3A_470 = tpu.memref_slice %arg3[%dma_wait3A_469] : memref<8x!tpu.dma_semaphore, #tpu.memory_space<semaphore_mem>> -> memref<1x!tpu.dma_semaphore, #tpu.memory_space<semaphore_mem>>
    %dma_wait3A_471 = tpu.memref_squeeze %dma_wait3A_470 : memref<1x!tpu.dma_semaphore, #tpu.memory_space<semaphore_mem>> -> memref<!tpu.dma_semaphore, #tpu.memory_space<semaphore_mem>>
    %dma_wait3A_472 = arith.constant 7168 : i32
    %dma_wait3A_473 = arith.constant 0 : i32
    %dma_wait3A_474 = tpu.memref_slice %arg2[%dma_wait3A_472, %dma_wait3A_473] : memref<8192x1024xf32, #tpu.memory_space<vmem>> -> memref<1024x1024xf32, #tpu.memory_space<vmem>>
    %dma_wait3A_475 = arith.constant 7168 : i32
    %dma_wait3A_476 = arith.constant 0 : i32
    %dma_wait3A_477 = tpu.memref_slice %arg0[%dma_wait3A_475, %dma_wait3A_476] : memref<8192x1024xf32, #tpu.memory_space<any>> -> memref<1024x1024xf32, #tpu.memory_space<any>>
    tpu.wait_dma2 semaphore(%dma_wait3A_471 : memref<!tpu.dma_semaphore, #tpu.memory_space<semaphore_mem>>) src(%dma_wait3A_477 : memref<1024x1024xf32, #tpu.memory_space<any>>) dst(%dma_wait3A_474 : memref<1024x1024xf32, #tpu.memory_space<vmem>>)
    %dma_start3A_478 = arith.constant 0 : i32
    %dma_start3A_479 = arith.constant 7 : i32
    %dma_start3A_480 = arith.constant 0 : i32
    %dma_start3A_481 = tpu.memref_slice %arg4[%dma_start3A_479, %dma_start3A_480] : memref<8x4x!tpu.dma_semaphore, #tpu.memory_space<semaphore_mem>> -> memref<1x1x!tpu.dma_semaphore, #tpu.memory_space<semaphore_mem>>
    %dma_start3A_482 = tpu.memref_squeeze %dma_start3A_481 : memref<1x1x!tpu.dma_semaphore, #tpu.memory_space<semaphore_mem>> -> memref<!tpu.dma_semaphore, #tpu.memory_space<semaphore_mem>>
    %dma_start3A_483 = arith.constant 7168 : i32
    %dma_start3A_484 = arith.constant 0 : i32
    %dma_start3A_485 = tpu.memref_slice %arg1[%dma_start3A_478, %dma_start3A_483, %dma_start3A_484] : memref<4x8192x1024xf32, #tpu.memory_space<any>> -> memref<1x1024x1024xf32, #tpu.memory_space<any>>
    %dma_start3A_486 = tpu.memref_squeeze %dma_start3A_485 : memref<1x1024x1024xf32, #tpu.memory_space<any>> -> memref<1024x1024xf32, #tpu.memory_space<any>>
    %dma_start3A_487 = arith.constant 7168 : i32
    %dma_start3A_488 = arith.constant 0 : i32
    %dma_start3A_489 = tpu.memref_slice %arg2[%dma_start3A_487, %dma_start3A_488] : memref<8192x1024xf32, #tpu.memory_space<vmem>> -> memref<1024x1024xf32, #tpu.memory_space<vmem>>
    tpu.enqueue_dma source(%dma_start3A_489 : memref<1024x1024xf32, #tpu.memory_space<vmem>>) target(%dma_start3A_486 : memref<1024x1024xf32, #tpu.memory_space<any>>) target_semaphore(%dma_start3A_482 : memref<!tpu.dma_semaphore, #tpu.memory_space<semaphore_mem>>)
    %dma_start3A_490 = arith.constant 1 : i32
    %dma_start3A_491 = arith.constant 7 : i32
    %dma_start3A_492 = arith.constant 1 : i32
    %dma_start3A_493 = tpu.memref_slice %arg4[%dma_start3A_491, %dma_start3A_492] : memref<8x4x!tpu.dma_semaphore, #tpu.memory_space<semaphore_mem>> -> memref<1x1x!tpu.dma_semaphore, #tpu.memory_space<semaphore_mem>>
    %dma_start3A_494 = tpu.memref_squeeze %dma_start3A_493 : memref<1x1x!tpu.dma_semaphore, #tpu.memory_space<semaphore_mem>> -> memref<!tpu.dma_semaphore, #tpu.memory_space<semaphore_mem>>
    %dma_start3A_495 = arith.constant 7168 : i32
    %dma_start3A_496 = arith.constant 0 : i32
    %dma_start3A_497 = tpu.memref_slice %arg1[%dma_start3A_490, %dma_start3A_495, %dma_start3A_496] : memref<4x8192x1024xf32, #tpu.memory_space<any>> -> memref<1x1024x1024xf32, #tpu.memory_space<any>>
    %dma_start3A_498 = tpu.memref_squeeze %dma_start3A_497 : memref<1x1024x1024xf32, #tpu.memory_space<any>> -> memref<1024x1024xf32, #tpu.memory_space<any>>
    %dma_start3A_499 = arith.constant 7168 : i32
    %dma_start3A_500 = arith.constant 0 : i32
    %dma_start3A_501 = tpu.memref_slice %arg2[%dma_start3A_499, %dma_start3A_500] : memref<8192x1024xf32, #tpu.memory_space<vmem>> -> memref<1024x1024xf32, #tpu.memory_space<vmem>>
    tpu.enqueue_dma source(%dma_start3A_501 : memref<1024x1024xf32, #tpu.memory_space<vmem>>) target(%dma_start3A_498 : memref<1024x1024xf32, #tpu.memory_space<any>>) target_semaphore(%dma_start3A_494 : memref<!tpu.dma_semaphore, #tpu.memory_space<semaphore_mem>>)
    %dma_start3A_502 = arith.constant 2 : i32
    %dma_start3A_503 = arith.constant 7 : i32
    %dma_start3A_504 = arith.constant 2 : i32
    %dma_start3A_505 = tpu.memref_slice %arg4[%dma_start3A_503, %dma_start3A_504] : memref<8x4x!tpu.dma_semaphore, #tpu.memory_space<semaphore_mem>> -> memref<1x1x!tpu.dma_semaphore, #tpu.memory_space<semaphore_mem>>
    %dma_start3A_506 = tpu.memref_squeeze %dma_start3A_505 : memref<1x1x!tpu.dma_semaphore, #tpu.memory_space<semaphore_mem>> -> memref<!tpu.dma_semaphore, #tpu.memory_space<semaphore_mem>>
    %dma_start3A_507 = arith.constant 7168 : i32
    %dma_start3A_508 = arith.constant 0 : i32
    %dma_start3A_509 = tpu.memref_slice %arg1[%dma_start3A_502, %dma_start3A_507, %dma_start3A_508] : memref<4x8192x1024xf32, #tpu.memory_space<any>> -> memref<1x1024x1024xf32, #tpu.memory_space<any>>
    %dma_start3A_510 = tpu.memref_squeeze %dma_start3A_509 : memref<1x1024x1024xf32, #tpu.memory_space<any>> -> memref<1024x1024xf32, #tpu.memory_space<any>>
    %dma_start3A_511 = arith.constant 7168 : i32
    %dma_start3A_512 = arith.constant 0 : i32
    %dma_start3A_513 = tpu.memref_slice %arg2[%dma_start3A_511, %dma_start3A_512] : memref<8192x1024xf32, #tpu.memory_space<vmem>> -> memref<1024x1024xf32, #tpu.memory_space<vmem>>
    tpu.enqueue_dma source(%dma_start3A_513 : memref<1024x1024xf32, #tpu.memory_space<vmem>>) target(%dma_start3A_510 : memref<1024x1024xf32, #tpu.memory_space<any>>) target_semaphore(%dma_start3A_506 : memref<!tpu.dma_semaphore, #tpu.memory_space<semaphore_mem>>)
    %dma_start3A_514 = arith.constant 3 : i32
    %dma_start3A_515 = arith.constant 7 : i32
    %dma_start3A_516 = arith.constant 3 : i32
    %dma_start3A_517 = tpu.memref_slice %arg4[%dma_start3A_515, %dma_start3A_516] : memref<8x4x!tpu.dma_semaphore, #tpu.memory_space<semaphore_mem>> -> memref<1x1x!tpu.dma_semaphore, #tpu.memory_space<semaphore_mem>>
    %dma_start3A_518 = tpu.memref_squeeze %dma_start3A_517 : memref<1x1x!tpu.dma_semaphore, #tpu.memory_space<semaphore_mem>> -> memref<!tpu.dma_semaphore, #tpu.memory_space<semaphore_mem>>
    %dma_start3A_519 = arith.constant 7168 : i32
    %dma_start3A_520 = arith.constant 0 : i32
    %dma_start3A_521 = tpu.memref_slice %arg1[%dma_start3A_514, %dma_start3A_519, %dma_start3A_520] : memref<4x8192x1024xf32, #tpu.memory_space<any>> -> memref<1x1024x1024xf32, #tpu.memory_space<any>>
    %dma_start3A_522 = tpu.memref_squeeze %dma_start3A_521 : memref<1x1024x1024xf32, #tpu.memory_space<any>> -> memref<1024x1024xf32, #tpu.memory_space<any>>
    %dma_start3A_523 = arith.constant 7168 : i32
    %dma_start3A_524 = arith.constant 0 : i32
    %dma_start3A_525 = tpu.memref_slice %arg2[%dma_start3A_523, %dma_start3A_524] : memref<8192x1024xf32, #tpu.memory_space<vmem>> -> memref<1024x1024xf32, #tpu.memory_space<vmem>>
    tpu.enqueue_dma source(%dma_start3A_525 : memref<1024x1024xf32, #tpu.memory_space<vmem>>) target(%dma_start3A_522 : memref<1024x1024xf32, #tpu.memory_space<any>>) target_semaphore(%dma_start3A_518 : memref<!tpu.dma_semaphore, #tpu.memory_space<semaphore_mem>>)
    %dma_wait3A_526 = arith.constant 0 : i32
    %dma_wait3A_527 = arith.constant 0 : i32
    %dma_wait3A_528 = arith.constant 0 : i32
    %dma_wait3A_529 = tpu.memref_slice %arg4[%dma_wait3A_527, %dma_wait3A_528] : memref<8x4x!tpu.dma_semaphore, #tpu.memory_space<semaphore_mem>> -> memref<1x1x!tpu.dma_semaphore, #tpu.memory_space<semaphore_mem>>
    %dma_wait3A_530 = tpu.memref_squeeze %dma_wait3A_529 : memref<1x1x!tpu.dma_semaphore, #tpu.memory_space<semaphore_mem>> -> memref<!tpu.dma_semaphore, #tpu.memory_space<semaphore_mem>>
    %dma_wait3A_531 = arith.constant 0 : i32
    %dma_wait3A_532 = arith.constant 0 : i32
    %dma_wait3A_533 = tpu.memref_slice %arg1[%dma_wait3A_526, %dma_wait3A_531, %dma_wait3A_532] : memref<4x8192x1024xf32, #tpu.memory_space<any>> -> memref<1x1024x1024xf32, #tpu.memory_space<any>>
    %dma_wait3A_534 = tpu.memref_squeeze %dma_wait3A_533 : memref<1x1024x1024xf32, #tpu.memory_space<any>> -> memref<1024x1024xf32, #tpu.memory_space<any>>
    %dma_wait3A_535 = arith.constant 0 : i32
    %dma_wait3A_536 = arith.constant 0 : i32
    %dma_wait3A_537 = tpu.memref_slice %arg2[%dma_wait3A_535, %dma_wait3A_536] : memref<8192x1024xf32, #tpu.memory_space<vmem>> -> memref<1024x1024xf32, #tpu.memory_space<vmem>>
    tpu.wait_dma2 semaphore(%dma_wait3A_530 : memref<!tpu.dma_semaphore, #tpu.memory_space<semaphore_mem>>) src(%dma_wait3A_537 : memref<1024x1024xf32, #tpu.memory_space<vmem>>) dst(%dma_wait3A_534 : memref<1024x1024xf32, #tpu.memory_space<any>>)
    %dma_wait3A_538 = arith.constant 1 : i32
    %dma_wait3A_539 = arith.constant 0 : i32
    %dma_wait3A_540 = arith.constant 1 : i32
    %dma_wait3A_541 = tpu.memref_slice %arg4[%dma_wait3A_539, %dma_wait3A_540] : memref<8x4x!tpu.dma_semaphore, #tpu.memory_space<semaphore_mem>> -> memref<1x1x!tpu.dma_semaphore, #tpu.memory_space<semaphore_mem>>
    %dma_wait3A_542 = tpu.memref_squeeze %dma_wait3A_541 : memref<1x1x!tpu.dma_semaphore, #tpu.memory_space<semaphore_mem>> -> memref<!tpu.dma_semaphore, #tpu.memory_space<semaphore_mem>>
    %dma_wait3A_543 = arith.constant 0 : i32
    %dma_wait3A_544 = arith.constant 0 : i32
    %dma_wait3A_545 = tpu.memref_slice %arg1[%dma_wait3A_538, %dma_wait3A_543, %dma_wait3A_544] : memref<4x8192x1024xf32, #tpu.memory_space<any>> -> memref<1x1024x1024xf32, #tpu.memory_space<any>>
    %dma_wait3A_546 = tpu.memref_squeeze %dma_wait3A_545 : memref<1x1024x1024xf32, #tpu.memory_space<any>> -> memref<1024x1024xf32, #tpu.memory_space<any>>
    %dma_wait3A_547 = arith.constant 0 : i32
    %dma_wait3A_548 = arith.constant 0 : i32
    %dma_wait3A_549 = tpu.memref_slice %arg2[%dma_wait3A_547, %dma_wait3A_548] : memref<8192x1024xf32, #tpu.memory_space<vmem>> -> memref<1024x1024xf32, #tpu.memory_space<vmem>>
    tpu.wait_dma2 semaphore(%dma_wait3A_542 : memref<!tpu.dma_semaphore, #tpu.memory_space<semaphore_mem>>) src(%dma_wait3A_549 : memref<1024x1024xf32, #tpu.memory_space<vmem>>) dst(%dma_wait3A_546 : memref<1024x1024xf32, #tpu.memory_space<any>>)
    %dma_wait3A_550 = arith.constant 2 : i32
    %dma_wait3A_551 = arith.constant 0 : i32
    %dma_wait3A_552 = arith.constant 2 : i32
    %dma_wait3A_553 = tpu.memref_slice %arg4[%dma_wait3A_551, %dma_wait3A_552] : memref<8x4x!tpu.dma_semaphore, #tpu.memory_space<semaphore_mem>> -> memref<1x1x!tpu.dma_semaphore, #tpu.memory_space<semaphore_mem>>
    %dma_wait3A_554 = tpu.memref_squeeze %dma_wait3A_553 : memref<1x1x!tpu.dma_semaphore, #tpu.memory_space<semaphore_mem>> -> memref<!tpu.dma_semaphore, #tpu.memory_space<semaphore_mem>>
    %dma_wait3A_555 = arith.constant 0 : i32
    %dma_wait3A_556 = arith.constant 0 : i32
    %dma_wait3A_557 = tpu.memref_slice %arg1[%dma_wait3A_550, %dma_wait3A_555, %dma_wait3A_556] : memref<4x8192x1024xf32, #tpu.memory_space<any>> -> memref<1x1024x1024xf32, #tpu.memory_space<any>>
    %dma_wait3A_558 = tpu.memref_squeeze %dma_wait3A_557 : memref<1x1024x1024xf32, #tpu.memory_space<any>> -> memref<1024x1024xf32, #tpu.memory_space<any>>
    %dma_wait3A_559 = arith.constant 0 : i32
    %dma_wait3A_560 = arith.constant 0 : i32
    %dma_wait3A_561 = tpu.memref_slice %arg2[%dma_wait3A_559, %dma_wait3A_560] : memref<8192x1024xf32, #tpu.memory_space<vmem>> -> memref<1024x1024xf32, #tpu.memory_space<vmem>>
    tpu.wait_dma2 semaphore(%dma_wait3A_554 : memref<!tpu.dma_semaphore, #tpu.memory_space<semaphore_mem>>) src(%dma_wait3A_561 : memref<1024x1024xf32, #tpu.memory_space<vmem>>) dst(%dma_wait3A_558 : memref<1024x1024xf32, #tpu.memory_space<any>>)
    %dma_wait3A_562 = arith.constant 3 : i32
    %dma_wait3A_563 = arith.constant 0 : i32
    %dma_wait3A_564 = arith.constant 3 : i32
    %dma_wait3A_565 = tpu.memref_slice %arg4[%dma_wait3A_563, %dma_wait3A_564] : memref<8x4x!tpu.dma_semaphore, #tpu.memory_space<semaphore_mem>> -> memref<1x1x!tpu.dma_semaphore, #tpu.memory_space<semaphore_mem>>
    %dma_wait3A_566 = tpu.memref_squeeze %dma_wait3A_565 : memref<1x1x!tpu.dma_semaphore, #tpu.memory_space<semaphore_mem>> -> memref<!tpu.dma_semaphore, #tpu.memory_space<semaphore_mem>>
    %dma_wait3A_567 = arith.constant 0 : i32
    %dma_wait3A_568 = arith.constant 0 : i32
    %dma_wait3A_569 = tpu.memref_slice %arg1[%dma_wait3A_562, %dma_wait3A_567, %dma_wait3A_568] : memref<4x8192x1024xf32, #tpu.memory_space<any>> -> memref<1x1024x1024xf32, #tpu.memory_space<any>>
    %dma_wait3A_570 = tpu.memref_squeeze %dma_wait3A_569 : memref<1x1024x1024xf32, #tpu.memory_space<any>> -> memref<1024x1024xf32, #tpu.memory_space<any>>
    %dma_wait3A_571 = arith.constant 0 : i32
    %dma_wait3A_572 = arith.constant 0 : i32
    %dma_wait3A_573 = tpu.memref_slice %arg2[%dma_wait3A_571, %dma_wait3A_572] : memref<8192x1024xf32, #tpu.memory_space<vmem>> -> memref<1024x1024xf32, #tpu.memory_space<vmem>>
    tpu.wait_dma2 semaphore(%dma_wait3A_566 : memref<!tpu.dma_semaphore, #tpu.memory_space<semaphore_mem>>) src(%dma_wait3A_573 : memref<1024x1024xf32, #tpu.memory_space<vmem>>) dst(%dma_wait3A_570 : memref<1024x1024xf32, #tpu.memory_space<any>>)
    %dma_wait3A_574 = arith.constant 0 : i32
    %dma_wait3A_575 = arith.constant 1 : i32
    %dma_wait3A_576 = arith.constant 0 : i32
    %dma_wait3A_577 = tpu.memref_slice %arg4[%dma_wait3A_575, %dma_wait3A_576] : memref<8x4x!tpu.dma_semaphore, #tpu.memory_space<semaphore_mem>> -> memref<1x1x!tpu.dma_semaphore, #tpu.memory_space<semaphore_mem>>
    %dma_wait3A_578 = tpu.memref_squeeze %dma_wait3A_577 : memref<1x1x!tpu.dma_semaphore, #tpu.memory_space<semaphore_mem>> -> memref<!tpu.dma_semaphore, #tpu.memory_space<semaphore_mem>>
    %dma_wait3A_579 = arith.constant 1024 : i32
    %dma_wait3A_580 = arith.constant 0 : i32
    %dma_wait3A_581 = tpu.memref_slice %arg1[%dma_wait3A_574, %dma_wait3A_579, %dma_wait3A_580] : memref<4x8192x1024xf32, #tpu.memory_space<any>> -> memref<1x1024x1024xf32, #tpu.memory_space<any>>
    %dma_wait3A_582 = tpu.memref_squeeze %dma_wait3A_581 : memref<1x1024x1024xf32, #tpu.memory_space<any>> -> memref<1024x1024xf32, #tpu.memory_space<any>>
    %dma_wait3A_583 = arith.constant 1024 : i32
    %dma_wait3A_584 = arith.constant 0 : i32
    %dma_wait3A_585 = tpu.memref_slice %arg2[%dma_wait3A_583, %dma_wait3A_584] : memref<8192x1024xf32, #tpu.memory_space<vmem>> -> memref<1024x1024xf32, #tpu.memory_space<vmem>>
    tpu.wait_dma2 semaphore(%dma_wait3A_578 : memref<!tpu.dma_semaphore, #tpu.memory_space<semaphore_mem>>) src(%dma_wait3A_585 : memref<1024x1024xf32, #tpu.memory_space<vmem>>) dst(%dma_wait3A_582 : memref<1024x1024xf32, #tpu.memory_space<any>>)
    %dma_wait3A_586 = arith.constant 1 : i32
    %dma_wait3A_587 = arith.constant 1 : i32
    %dma_wait3A_588 = arith.constant 1 : i32
    %dma_wait3A_589 = tpu.memref_slice %arg4[%dma_wait3A_587, %dma_wait3A_588] : memref<8x4x!tpu.dma_semaphore, #tpu.memory_space<semaphore_mem>> -> memref<1x1x!tpu.dma_semaphore, #tpu.memory_space<semaphore_mem>>
    %dma_wait3A_590 = tpu.memref_squeeze %dma_wait3A_589 : memref<1x1x!tpu.dma_semaphore, #tpu.memory_space<semaphore_mem>> -> memref<!tpu.dma_semaphore, #tpu.memory_space<semaphore_mem>>
    %dma_wait3A_591 = arith.constant 1024 : i32
    %dma_wait3A_592 = arith.constant 0 : i32
    %dma_wait3A_593 = tpu.memref_slice %arg1[%dma_wait3A_586, %dma_wait3A_591, %dma_wait3A_592] : memref<4x8192x1024xf32, #tpu.memory_space<any>> -> memref<1x1024x1024xf32, #tpu.memory_space<any>>
    %dma_wait3A_594 = tpu.memref_squeeze %dma_wait3A_593 : memref<1x1024x1024xf32, #tpu.memory_space<any>> -> memref<1024x1024xf32, #tpu.memory_space<any>>
    %dma_wait3A_595 = arith.constant 1024 : i32
    %dma_wait3A_596 = arith.constant 0 : i32
    %dma_wait3A_597 = tpu.memref_slice %arg2[%dma_wait3A_595, %dma_wait3A_596] : memref<8192x1024xf32, #tpu.memory_space<vmem>> -> memref<1024x1024xf32, #tpu.memory_space<vmem>>
    tpu.wait_dma2 semaphore(%dma_wait3A_590 : memref<!tpu.dma_semaphore, #tpu.memory_space<semaphore_mem>>) src(%dma_wait3A_597 : memref<1024x1024xf32, #tpu.memory_space<vmem>>) dst(%dma_wait3A_594 : memref<1024x1024xf32, #tpu.memory_space<any>>)
    %dma_wait3A_598 = arith.constant 2 : i32
    %dma_wait3A_599 = arith.constant 1 : i32
    %dma_wait3A_600 = arith.constant 2 : i32
    %dma_wait3A_601 = tpu.memref_slice %arg4[%dma_wait3A_599, %dma_wait3A_600] : memref<8x4x!tpu.dma_semaphore, #tpu.memory_space<semaphore_mem>> -> memref<1x1x!tpu.dma_semaphore, #tpu.memory_space<semaphore_mem>>
    %dma_wait3A_602 = tpu.memref_squeeze %dma_wait3A_601 : memref<1x1x!tpu.dma_semaphore, #tpu.memory_space<semaphore_mem>> -> memref<!tpu.dma_semaphore, #tpu.memory_space<semaphore_mem>>
    %dma_wait3A_603 = arith.constant 1024 : i32
    %dma_wait3A_604 = arith.constant 0 : i32
    %dma_wait3A_605 = tpu.memref_slice %arg1[%dma_wait3A_598, %dma_wait3A_603, %dma_wait3A_604] : memref<4x8192x1024xf32, #tpu.memory_space<any>> -> memref<1x1024x1024xf32, #tpu.memory_space<any>>
    %dma_wait3A_606 = tpu.memref_squeeze %dma_wait3A_605 : memref<1x1024x1024xf32, #tpu.memory_space<any>> -> memref<1024x1024xf32, #tpu.memory_space<any>>
    %dma_wait3A_607 = arith.constant 1024 : i32
    %dma_wait3A_608 = arith.constant 0 : i32
    %dma_wait3A_609 = tpu.memref_slice %arg2[%dma_wait3A_607, %dma_wait3A_608] : memref<8192x1024xf32, #tpu.memory_space<vmem>> -> memref<1024x1024xf32, #tpu.memory_space<vmem>>
    tpu.wait_dma2 semaphore(%dma_wait3A_602 : memref<!tpu.dma_semaphore, #tpu.memory_space<semaphore_mem>>) src(%dma_wait3A_609 : memref<1024x1024xf32, #tpu.memory_space<vmem>>) dst(%dma_wait3A_606 : memref<1024x1024xf32, #tpu.memory_space<any>>)
    %dma_wait3A_610 = arith.constant 3 : i32
    %dma_wait3A_611 = arith.constant 1 : i32
    %dma_wait3A_612 = arith.constant 3 : i32
    %dma_wait3A_613 = tpu.memref_slice %arg4[%dma_wait3A_611, %dma_wait3A_612] : memref<8x4x!tpu.dma_semaphore, #tpu.memory_space<semaphore_mem>> -> memref<1x1x!tpu.dma_semaphore, #tpu.memory_space<semaphore_mem>>
    %dma_wait3A_614 = tpu.memref_squeeze %dma_wait3A_613 : memref<1x1x!tpu.dma_semaphore, #tpu.memory_space<semaphore_mem>> -> memref<!tpu.dma_semaphore, #tpu.memory_space<semaphore_mem>>
    %dma_wait3A_615 = arith.constant 1024 : i32
    %dma_wait3A_616 = arith.constant 0 : i32
    %dma_wait3A_617 = tpu.memref_slice %arg1[%dma_wait3A_610, %dma_wait3A_615, %dma_wait3A_616] : memref<4x8192x1024xf32, #tpu.memory_space<any>> -> memref<1x1024x1024xf32, #tpu.memory_space<any>>
    %dma_wait3A_618 = tpu.memref_squeeze %dma_wait3A_617 : memref<1x1024x1024xf32, #tpu.memory_space<any>> -> memref<1024x1024xf32, #tpu.memory_space<any>>
    %dma_wait3A_619 = arith.constant 1024 : i32
    %dma_wait3A_620 = arith.constant 0 : i32
    %dma_wait3A_621 = tpu.memref_slice %arg2[%dma_wait3A_619, %dma_wait3A_620] : memref<8192x1024xf32, #tpu.memory_space<vmem>> -> memref<1024x1024xf32, #tpu.memory_space<vmem>>
    tpu.wait_dma2 semaphore(%dma_wait3A_614 : memref<!tpu.dma_semaphore, #tpu.memory_space<semaphore_mem>>) src(%dma_wait3A_621 : memref<1024x1024xf32, #tpu.memory_space<vmem>>) dst(%dma_wait3A_618 : memref<1024x1024xf32, #tpu.memory_space<any>>)
    %dma_wait3A_622 = arith.constant 0 : i32
    %dma_wait3A_623 = arith.constant 2 : i32
    %dma_wait3A_624 = arith.constant 0 : i32
    %dma_wait3A_625 = tpu.memref_slice %arg4[%dma_wait3A_623, %dma_wait3A_624] : memref<8x4x!tpu.dma_semaphore, #tpu.memory_space<semaphore_mem>> -> memref<1x1x!tpu.dma_semaphore, #tpu.memory_space<semaphore_mem>>
    %dma_wait3A_626 = tpu.memref_squeeze %dma_wait3A_625 : memref<1x1x!tpu.dma_semaphore, #tpu.memory_space<semaphore_mem>> -> memref<!tpu.dma_semaphore, #tpu.memory_space<semaphore_mem>>
    %dma_wait3A_627 = arith.constant 2048 : i32
    %dma_wait3A_628 = arith.constant 0 : i32
    %dma_wait3A_629 = tpu.memref_slice %arg1[%dma_wait3A_622, %dma_wait3A_627, %dma_wait3A_628] : memref<4x8192x1024xf32, #tpu.memory_space<any>> -> memref<1x1024x1024xf32, #tpu.memory_space<any>>
    %dma_wait3A_630 = tpu.memref_squeeze %dma_wait3A_629 : memref<1x1024x1024xf32, #tpu.memory_space<any>> -> memref<1024x1024xf32, #tpu.memory_space<any>>
    %dma_wait3A_631 = arith.constant 2048 : i32
    %dma_wait3A_632 = arith.constant 0 : i32
    %dma_wait3A_633 = tpu.memref_slice %arg2[%dma_wait3A_631, %dma_wait3A_632] : memref<8192x1024xf32, #tpu.memory_space<vmem>> -> memref<1024x1024xf32, #tpu.memory_space<vmem>>
    tpu.wait_dma2 semaphore(%dma_wait3A_626 : memref<!tpu.dma_semaphore, #tpu.memory_space<semaphore_mem>>) src(%dma_wait3A_633 : memref<1024x1024xf32, #tpu.memory_space<vmem>>) dst(%dma_wait3A_630 : memref<1024x1024xf32, #tpu.memory_space<any>>)
    %dma_wait3A_634 = arith.constant 1 : i32
    %dma_wait3A_635 = arith.constant 2 : i32
    %dma_wait3A_636 = arith.constant 1 : i32
    %dma_wait3A_637 = tpu.memref_slice %arg4[%dma_wait3A_635, %dma_wait3A_636] : memref<8x4x!tpu.dma_semaphore, #tpu.memory_space<semaphore_mem>> -> memref<1x1x!tpu.dma_semaphore, #tpu.memory_space<semaphore_mem>>
    %dma_wait3A_638 = tpu.memref_squeeze %dma_wait3A_637 : memref<1x1x!tpu.dma_semaphore, #tpu.memory_space<semaphore_mem>> -> memref<!tpu.dma_semaphore, #tpu.memory_space<semaphore_mem>>
    %dma_wait3A_639 = arith.constant 2048 : i32
    %dma_wait3A_640 = arith.constant 0 : i32
    %dma_wait3A_641 = tpu.memref_slice %arg1[%dma_wait3A_634, %dma_wait3A_639, %dma_wait3A_640] : memref<4x8192x1024xf32, #tpu.memory_space<any>> -> memref<1x1024x1024xf32, #tpu.memory_space<any>>
    %dma_wait3A_642 = tpu.memref_squeeze %dma_wait3A_641 : memref<1x1024x1024xf32, #tpu.memory_space<any>> -> memref<1024x1024xf32, #tpu.memory_space<any>>
    %dma_wait3A_643 = arith.constant 2048 : i32
    %dma_wait3A_644 = arith.constant 0 : i32
    %dma_wait3A_645 = tpu.memref_slice %arg2[%dma_wait3A_643, %dma_wait3A_644] : memref<8192x1024xf32, #tpu.memory_space<vmem>> -> memref<1024x1024xf32, #tpu.memory_space<vmem>>
    tpu.wait_dma2 semaphore(%dma_wait3A_638 : memref<!tpu.dma_semaphore, #tpu.memory_space<semaphore_mem>>) src(%dma_wait3A_645 : memref<1024x1024xf32, #tpu.memory_space<vmem>>) dst(%dma_wait3A_642 : memref<1024x1024xf32, #tpu.memory_space<any>>)
    %dma_wait3A_646 = arith.constant 2 : i32
    %dma_wait3A_647 = arith.constant 2 : i32
    %dma_wait3A_648 = arith.constant 2 : i32
    %dma_wait3A_649 = tpu.memref_slice %arg4[%dma_wait3A_647, %dma_wait3A_648] : memref<8x4x!tpu.dma_semaphore, #tpu.memory_space<semaphore_mem>> -> memref<1x1x!tpu.dma_semaphore, #tpu.memory_space<semaphore_mem>>
    %dma_wait3A_650 = tpu.memref_squeeze %dma_wait3A_649 : memref<1x1x!tpu.dma_semaphore, #tpu.memory_space<semaphore_mem>> -> memref<!tpu.dma_semaphore, #tpu.memory_space<semaphore_mem>>
    %dma_wait3A_651 = arith.constant 2048 : i32
    %dma_wait3A_652 = arith.constant 0 : i32
    %dma_wait3A_653 = tpu.memref_slice %arg1[%dma_wait3A_646, %dma_wait3A_651, %dma_wait3A_652] : memref<4x8192x1024xf32, #tpu.memory_space<any>> -> memref<1x1024x1024xf32, #tpu.memory_space<any>>
    %dma_wait3A_654 = tpu.memref_squeeze %dma_wait3A_653 : memref<1x1024x1024xf32, #tpu.memory_space<any>> -> memref<1024x1024xf32, #tpu.memory_space<any>>
    %dma_wait3A_655 = arith.constant 2048 : i32
    %dma_wait3A_656 = arith.constant 0 : i32
    %dma_wait3A_657 = tpu.memref_slice %arg2[%dma_wait3A_655, %dma_wait3A_656] : memref<8192x1024xf32, #tpu.memory_space<vmem>> -> memref<1024x1024xf32, #tpu.memory_space<vmem>>
    tpu.wait_dma2 semaphore(%dma_wait3A_650 : memref<!tpu.dma_semaphore, #tpu.memory_space<semaphore_mem>>) src(%dma_wait3A_657 : memref<1024x1024xf32, #tpu.memory_space<vmem>>) dst(%dma_wait3A_654 : memref<1024x1024xf32, #tpu.memory_space<any>>)
    %dma_wait3A_658 = arith.constant 3 : i32
    %dma_wait3A_659 = arith.constant 2 : i32
    %dma_wait3A_660 = arith.constant 3 : i32
    %dma_wait3A_661 = tpu.memref_slice %arg4[%dma_wait3A_659, %dma_wait3A_660] : memref<8x4x!tpu.dma_semaphore, #tpu.memory_space<semaphore_mem>> -> memref<1x1x!tpu.dma_semaphore, #tpu.memory_space<semaphore_mem>>
    %dma_wait3A_662 = tpu.memref_squeeze %dma_wait3A_661 : memref<1x1x!tpu.dma_semaphore, #tpu.memory_space<semaphore_mem>> -> memref<!tpu.dma_semaphore, #tpu.memory_space<semaphore_mem>>
    %dma_wait3A_663 = arith.constant 2048 : i32
    %dma_wait3A_664 = arith.constant 0 : i32
    %dma_wait3A_665 = tpu.memref_slice %arg1[%dma_wait3A_658, %dma_wait3A_663, %dma_wait3A_664] : memref<4x8192x1024xf32, #tpu.memory_space<any>> -> memref<1x1024x1024xf32, #tpu.memory_space<any>>
    %dma_wait3A_666 = tpu.memref_squeeze %dma_wait3A_665 : memref<1x1024x1024xf32, #tpu.memory_space<any>> -> memref<1024x1024xf32, #tpu.memory_space<any>>
    %dma_wait3A_667 = arith.constant 2048 : i32
    %dma_wait3A_668 = arith.constant 0 : i32
    %dma_wait3A_669 = tpu.memref_slice %arg2[%dma_wait3A_667, %dma_wait3A_668] : memref<8192x1024xf32, #tpu.memory_space<vmem>> -> memref<1024x1024xf32, #tpu.memory_space<vmem>>
    tpu.wait_dma2 semaphore(%dma_wait3A_662 : memref<!tpu.dma_semaphore, #tpu.memory_space<semaphore_mem>>) src(%dma_wait3A_669 : memref<1024x1024xf32, #tpu.memory_space<vmem>>) dst(%dma_wait3A_666 : memref<1024x1024xf32, #tpu.memory_space<any>>)
    %dma_wait3A_670 = arith.constant 0 : i32
    %dma_wait3A_671 = arith.constant 3 : i32
    %dma_wait3A_672 = arith.constant 0 : i32
    %dma_wait3A_673 = tpu.memref_slice %arg4[%dma_wait3A_671, %dma_wait3A_672] : memref<8x4x!tpu.dma_semaphore, #tpu.memory_space<semaphore_mem>> -> memref<1x1x!tpu.dma_semaphore, #tpu.memory_space<semaphore_mem>>
    %dma_wait3A_674 = tpu.memref_squeeze %dma_wait3A_673 : memref<1x1x!tpu.dma_semaphore, #tpu.memory_space<semaphore_mem>> -> memref<!tpu.dma_semaphore, #tpu.memory_space<semaphore_mem>>
    %dma_wait3A_675 = arith.constant 3072 : i32
    %dma_wait3A_676 = arith.constant 0 : i32
    %dma_wait3A_677 = tpu.memref_slice %arg1[%dma_wait3A_670, %dma_wait3A_675, %dma_wait3A_676] : memref<4x8192x1024xf32, #tpu.memory_space<any>> -> memref<1x1024x1024xf32, #tpu.memory_space<any>>
    %dma_wait3A_678 = tpu.memref_squeeze %dma_wait3A_677 : memref<1x1024x1024xf32, #tpu.memory_space<any>> -> memref<1024x1024xf32, #tpu.memory_space<any>>
    %dma_wait3A_679 = arith.constant 3072 : i32
    %dma_wait3A_680 = arith.constant 0 : i32
    %dma_wait3A_681 = tpu.memref_slice %arg2[%dma_wait3A_679, %dma_wait3A_680] : memref<8192x1024xf32, #tpu.memory_space<vmem>> -> memref<1024x1024xf32, #tpu.memory_space<vmem>>
    tpu.wait_dma2 semaphore(%dma_wait3A_674 : memref<!tpu.dma_semaphore, #tpu.memory_space<semaphore_mem>>) src(%dma_wait3A_681 : memref<1024x1024xf32, #tpu.memory_space<vmem>>) dst(%dma_wait3A_678 : memref<1024x1024xf32, #tpu.memory_space<any>>)
    %dma_wait3A_682 = arith.constant 1 : i32
    %dma_wait3A_683 = arith.constant 3 : i32
    %dma_wait3A_684 = arith.constant 1 : i32
    %dma_wait3A_685 = tpu.memref_slice %arg4[%dma_wait3A_683, %dma_wait3A_684] : memref<8x4x!tpu.dma_semaphore, #tpu.memory_space<semaphore_mem>> -> memref<1x1x!tpu.dma_semaphore, #tpu.memory_space<semaphore_mem>>
    %dma_wait3A_686 = tpu.memref_squeeze %dma_wait3A_685 : memref<1x1x!tpu.dma_semaphore, #tpu.memory_space<semaphore_mem>> -> memref<!tpu.dma_semaphore, #tpu.memory_space<semaphore_mem>>
    %dma_wait3A_687 = arith.constant 3072 : i32
    %dma_wait3A_688 = arith.constant 0 : i32
    %dma_wait3A_689 = tpu.memref_slice %arg1[%dma_wait3A_682, %dma_wait3A_687, %dma_wait3A_688] : memref<4x8192x1024xf32, #tpu.memory_space<any>> -> memref<1x1024x1024xf32, #tpu.memory_space<any>>
    %dma_wait3A_690 = tpu.memref_squeeze %dma_wait3A_689 : memref<1x1024x1024xf32, #tpu.memory_space<any>> -> memref<1024x1024xf32, #tpu.memory_space<any>>
    %dma_wait3A_691 = arith.constant 3072 : i32
    %dma_wait3A_692 = arith.constant 0 : i32
    %dma_wait3A_693 = tpu.memref_slice %arg2[%dma_wait3A_691, %dma_wait3A_692] : memref<8192x1024xf32, #tpu.memory_space<vmem>> -> memref<1024x1024xf32, #tpu.memory_space<vmem>>
    tpu.wait_dma2 semaphore(%dma_wait3A_686 : memref<!tpu.dma_semaphore, #tpu.memory_space<semaphore_mem>>) src(%dma_wait3A_693 : memref<1024x1024xf32, #tpu.memory_space<vmem>>) dst(%dma_wait3A_690 : memref<1024x1024xf32, #tpu.memory_space<any>>)
    %dma_wait3A_694 = arith.constant 2 : i32
    %dma_wait3A_695 = arith.constant 3 : i32
    %dma_wait3A_696 = arith.constant 2 : i32
    %dma_wait3A_697 = tpu.memref_slice %arg4[%dma_wait3A_695, %dma_wait3A_696] : memref<8x4x!tpu.dma_semaphore, #tpu.memory_space<semaphore_mem>> -> memref<1x1x!tpu.dma_semaphore, #tpu.memory_space<semaphore_mem>>
    %dma_wait3A_698 = tpu.memref_squeeze %dma_wait3A_697 : memref<1x1x!tpu.dma_semaphore, #tpu.memory_space<semaphore_mem>> -> memref<!tpu.dma_semaphore, #tpu.memory_space<semaphore_mem>>
    %dma_wait3A_699 = arith.constant 3072 : i32
    %dma_wait3A_700 = arith.constant 0 : i32
    %dma_wait3A_701 = tpu.memref_slice %arg1[%dma_wait3A_694, %dma_wait3A_699, %dma_wait3A_700] : memref<4x8192x1024xf32, #tpu.memory_space<any>> -> memref<1x1024x1024xf32, #tpu.memory_space<any>>
    %dma_wait3A_702 = tpu.memref_squeeze %dma_wait3A_701 : memref<1x1024x1024xf32, #tpu.memory_space<any>> -> memref<1024x1024xf32, #tpu.memory_space<any>>
    %dma_wait3A_703 = arith.constant 3072 : i32
    %dma_wait3A_704 = arith.constant 0 : i32
    %dma_wait3A_705 = tpu.memref_slice %arg2[%dma_wait3A_703, %dma_wait3A_704] : memref<8192x1024xf32, #tpu.memory_space<vmem>> -> memref<1024x1024xf32, #tpu.memory_space<vmem>>
    tpu.wait_dma2 semaphore(%dma_wait3A_698 : memref<!tpu.dma_semaphore, #tpu.memory_space<semaphore_mem>>) src(%dma_wait3A_705 : memref<1024x1024xf32, #tpu.memory_space<vmem>>) dst(%dma_wait3A_702 : memref<1024x1024xf32, #tpu.memory_space<any>>)
    %dma_wait3A_706 = arith.constant 3 : i32
    %dma_wait3A_707 = arith.constant 3 : i32
    %dma_wait3A_708 = arith.constant 3 : i32
    %dma_wait3A_709 = tpu.memref_slice %arg4[%dma_wait3A_707, %dma_wait3A_708] : memref<8x4x!tpu.dma_semaphore, #tpu.memory_space<semaphore_mem>> -> memref<1x1x!tpu.dma_semaphore, #tpu.memory_space<semaphore_mem>>
    %dma_wait3A_710 = tpu.memref_squeeze %dma_wait3A_709 : memref<1x1x!tpu.dma_semaphore, #tpu.memory_space<semaphore_mem>> -> memref<!tpu.dma_semaphore, #tpu.memory_space<semaphore_mem>>
    %dma_wait3A_711 = arith.constant 3072 : i32
    %dma_wait3A_712 = arith.constant 0 : i32
    %dma_wait3A_713 = tpu.memref_slice %arg1[%dma_wait3A_706, %dma_wait3A_711, %dma_wait3A_712] : memref<4x8192x1024xf32, #tpu.memory_space<any>> -> memref<1x1024x1024xf32, #tpu.memory_space<any>>
    %dma_wait3A_714 = tpu.memref_squeeze %dma_wait3A_713 : memref<1x1024x1024xf32, #tpu.memory_space<any>> -> memref<1024x1024xf32, #tpu.memory_space<any>>
    %dma_wait3A_715 = arith.constant 3072 : i32
    %dma_wait3A_716 = arith.constant 0 : i32
    %dma_wait3A_717 = tpu.memref_slice %arg2[%dma_wait3A_715, %dma_wait3A_716] : memref<8192x1024xf32, #tpu.memory_space<vmem>> -> memref<1024x1024xf32, #tpu.memory_space<vmem>>
    tpu.wait_dma2 semaphore(%dma_wait3A_710 : memref<!tpu.dma_semaphore, #tpu.memory_space<semaphore_mem>>) src(%dma_wait3A_717 : memref<1024x1024xf32, #tpu.memory_space<vmem>>) dst(%dma_wait3A_714 : memref<1024x1024xf32, #tpu.memory_space<any>>)
    %dma_wait3A_718 = arith.constant 0 : i32
    %dma_wait3A_719 = arith.constant 4 : i32
    %dma_wait3A_720 = arith.constant 0 : i32
    %dma_wait3A_721 = tpu.memref_slice %arg4[%dma_wait3A_719, %dma_wait3A_720] : memref<8x4x!tpu.dma_semaphore, #tpu.memory_space<semaphore_mem>> -> memref<1x1x!tpu.dma_semaphore, #tpu.memory_space<semaphore_mem>>
    %dma_wait3A_722 = tpu.memref_squeeze %dma_wait3A_721 : memref<1x1x!tpu.dma_semaphore, #tpu.memory_space<semaphore_mem>> -> memref<!tpu.dma_semaphore, #tpu.memory_space<semaphore_mem>>
    %dma_wait3A_723 = arith.constant 4096 : i32
    %dma_wait3A_724 = arith.constant 0 : i32
    %dma_wait3A_725 = tpu.memref_slice %arg1[%dma_wait3A_718, %dma_wait3A_723, %dma_wait3A_724] : memref<4x8192x1024xf32, #tpu.memory_space<any>> -> memref<1x1024x1024xf32, #tpu.memory_space<any>>
    %dma_wait3A_726 = tpu.memref_squeeze %dma_wait3A_725 : memref<1x1024x1024xf32, #tpu.memory_space<any>> -> memref<1024x1024xf32, #tpu.memory_space<any>>
    %dma_wait3A_727 = arith.constant 4096 : i32
    %dma_wait3A_728 = arith.constant 0 : i32
    %dma_wait3A_729 = tpu.memref_slice %arg2[%dma_wait3A_727, %dma_wait3A_728] : memref<8192x1024xf32, #tpu.memory_space<vmem>> -> memref<1024x1024xf32, #tpu.memory_space<vmem>>
    tpu.wait_dma2 semaphore(%dma_wait3A_722 : memref<!tpu.dma_semaphore, #tpu.memory_space<semaphore_mem>>) src(%dma_wait3A_729 : memref<1024x1024xf32, #tpu.memory_space<vmem>>) dst(%dma_wait3A_726 : memref<1024x1024xf32, #tpu.memory_space<any>>)
    %dma_wait3A_730 = arith.constant 1 : i32
    %dma_wait3A_731 = arith.constant 4 : i32
    %dma_wait3A_732 = arith.constant 1 : i32
    %dma_wait3A_733 = tpu.memref_slice %arg4[%dma_wait3A_731, %dma_wait3A_732] : memref<8x4x!tpu.dma_semaphore, #tpu.memory_space<semaphore_mem>> -> memref<1x1x!tpu.dma_semaphore, #tpu.memory_space<semaphore_mem>>
    %dma_wait3A_734 = tpu.memref_squeeze %dma_wait3A_733 : memref<1x1x!tpu.dma_semaphore, #tpu.memory_space<semaphore_mem>> -> memref<!tpu.dma_semaphore, #tpu.memory_space<semaphore_mem>>
    %dma_wait3A_735 = arith.constant 4096 : i32
    %dma_wait3A_736 = arith.constant 0 : i32
    %dma_wait3A_737 = tpu.memref_slice %arg1[%dma_wait3A_730, %dma_wait3A_735, %dma_wait3A_736] : memref<4x8192x1024xf32, #tpu.memory_space<any>> -> memref<1x1024x1024xf32, #tpu.memory_space<any>>
    %dma_wait3A_738 = tpu.memref_squeeze %dma_wait3A_737 : memref<1x1024x1024xf32, #tpu.memory_space<any>> -> memref<1024x1024xf32, #tpu.memory_space<any>>
    %dma_wait3A_739 = arith.constant 4096 : i32
    %dma_wait3A_740 = arith.constant 0 : i32
    %dma_wait3A_741 = tpu.memref_slice %arg2[%dma_wait3A_739, %dma_wait3A_740] : memref<8192x1024xf32, #tpu.memory_space<vmem>> -> memref<1024x1024xf32, #tpu.memory_space<vmem>>
    tpu.wait_dma2 semaphore(%dma_wait3A_734 : memref<!tpu.dma_semaphore, #tpu.memory_space<semaphore_mem>>) src(%dma_wait3A_741 : memref<1024x1024xf32, #tpu.memory_space<vmem>>) dst(%dma_wait3A_738 : memref<1024x1024xf32, #tpu.memory_space<any>>)
    %dma_wait3A_742 = arith.constant 2 : i32
    %dma_wait3A_743 = arith.constant 4 : i32
    %dma_wait3A_744 = arith.constant 2 : i32
    %dma_wait3A_745 = tpu.memref_slice %arg4[%dma_wait3A_743, %dma_wait3A_744] : memref<8x4x!tpu.dma_semaphore, #tpu.memory_space<semaphore_mem>> -> memref<1x1x!tpu.dma_semaphore, #tpu.memory_space<semaphore_mem>>
    %dma_wait3A_746 = tpu.memref_squeeze %dma_wait3A_745 : memref<1x1x!tpu.dma_semaphore, #tpu.memory_space<semaphore_mem>> -> memref<!tpu.dma_semaphore, #tpu.memory_space<semaphore_mem>>
    %dma_wait3A_747 = arith.constant 4096 : i32
    %dma_wait3A_748 = arith.constant 0 : i32
    %dma_wait3A_749 = tpu.memref_slice %arg1[%dma_wait3A_742, %dma_wait3A_747, %dma_wait3A_748] : memref<4x8192x1024xf32, #tpu.memory_space<any>> -> memref<1x1024x1024xf32, #tpu.memory_space<any>>
    %dma_wait3A_750 = tpu.memref_squeeze %dma_wait3A_749 : memref<1x1024x1024xf32, #tpu.memory_space<any>> -> memref<1024x1024xf32, #tpu.memory_space<any>>
    %dma_wait3A_751 = arith.constant 4096 : i32
    %dma_wait3A_752 = arith.constant 0 : i32
    %dma_wait3A_753 = tpu.memref_slice %arg2[%dma_wait3A_751, %dma_wait3A_752] : memref<8192x1024xf32, #tpu.memory_space<vmem>> -> memref<1024x1024xf32, #tpu.memory_space<vmem>>
    tpu.wait_dma2 semaphore(%dma_wait3A_746 : memref<!tpu.dma_semaphore, #tpu.memory_space<semaphore_mem>>) src(%dma_wait3A_753 : memref<1024x1024xf32, #tpu.memory_space<vmem>>) dst(%dma_wait3A_750 : memref<1024x1024xf32, #tpu.memory_space<any>>)
    %dma_wait3A_754 = arith.constant 3 : i32
    %dma_wait3A_755 = arith.constant 4 : i32
    %dma_wait3A_756 = arith.constant 3 : i32
    %dma_wait3A_757 = tpu.memref_slice %arg4[%dma_wait3A_755, %dma_wait3A_756] : memref<8x4x!tpu.dma_semaphore, #tpu.memory_space<semaphore_mem>> -> memref<1x1x!tpu.dma_semaphore, #tpu.memory_space<semaphore_mem>>
    %dma_wait3A_758 = tpu.memref_squeeze %dma_wait3A_757 : memref<1x1x!tpu.dma_semaphore, #tpu.memory_space<semaphore_mem>> -> memref<!tpu.dma_semaphore, #tpu.memory_space<semaphore_mem>>
    %dma_wait3A_759 = arith.constant 4096 : i32
    %dma_wait3A_760 = arith.constant 0 : i32
    %dma_wait3A_761 = tpu.memref_slice %arg1[%dma_wait3A_754, %dma_wait3A_759, %dma_wait3A_760] : memref<4x8192x1024xf32, #tpu.memory_space<any>> -> memref<1x1024x1024xf32, #tpu.memory_space<any>>
    %dma_wait3A_762 = tpu.memref_squeeze %dma_wait3A_761 : memref<1x1024x1024xf32, #tpu.memory_space<any>> -> memref<1024x1024xf32, #tpu.memory_space<any>>
    %dma_wait3A_763 = arith.constant 4096 : i32
    %dma_wait3A_764 = arith.constant 0 : i32
    %dma_wait3A_765 = tpu.memref_slice %arg2[%dma_wait3A_763, %dma_wait3A_764] : memref<8192x1024xf32, #tpu.memory_space<vmem>> -> memref<1024x1024xf32, #tpu.memory_space<vmem>>
    tpu.wait_dma2 semaphore(%dma_wait3A_758 : memref<!tpu.dma_semaphore, #tpu.memory_space<semaphore_mem>>) src(%dma_wait3A_765 : memref<1024x1024xf32, #tpu.memory_space<vmem>>) dst(%dma_wait3A_762 : memref<1024x1024xf32, #tpu.memory_space<any>>)
    %dma_wait3A_766 = arith.constant 0 : i32
    %dma_wait3A_767 = arith.constant 5 : i32
    %dma_wait3A_768 = arith.constant 0 : i32
    %dma_wait3A_769 = tpu.memref_slice %arg4[%dma_wait3A_767, %dma_wait3A_768] : memref<8x4x!tpu.dma_semaphore, #tpu.memory_space<semaphore_mem>> -> memref<1x1x!tpu.dma_semaphore, #tpu.memory_space<semaphore_mem>>
    %dma_wait3A_770 = tpu.memref_squeeze %dma_wait3A_769 : memref<1x1x!tpu.dma_semaphore, #tpu.memory_space<semaphore_mem>> -> memref<!tpu.dma_semaphore, #tpu.memory_space<semaphore_mem>>
    %dma_wait3A_771 = arith.constant 5120 : i32
    %dma_wait3A_772 = arith.constant 0 : i32
    %dma_wait3A_773 = tpu.memref_slice %arg1[%dma_wait3A_766, %dma_wait3A_771, %dma_wait3A_772] : memref<4x8192x1024xf32, #tpu.memory_space<any>> -> memref<1x1024x1024xf32, #tpu.memory_space<any>>
    %dma_wait3A_774 = tpu.memref_squeeze %dma_wait3A_773 : memref<1x1024x1024xf32, #tpu.memory_space<any>> -> memref<1024x1024xf32, #tpu.memory_space<any>>
    %dma_wait3A_775 = arith.constant 5120 : i32
    %dma_wait3A_776 = arith.constant 0 : i32
    %dma_wait3A_777 = tpu.memref_slice %arg2[%dma_wait3A_775, %dma_wait3A_776] : memref<8192x1024xf32, #tpu.memory_space<vmem>> -> memref<1024x1024xf32, #tpu.memory_space<vmem>>
    tpu.wait_dma2 semaphore(%dma_wait3A_770 : memref<!tpu.dma_semaphore, #tpu.memory_space<semaphore_mem>>) src(%dma_wait3A_777 : memref<1024x1024xf32, #tpu.memory_space<vmem>>) dst(%dma_wait3A_774 : memref<1024x1024xf32, #tpu.memory_space<any>>)
    %dma_wait3A_778 = arith.constant 1 : i32
    %dma_wait3A_779 = arith.constant 5 : i32
    %dma_wait3A_780 = arith.constant 1 : i32
    %dma_wait3A_781 = tpu.memref_slice %arg4[%dma_wait3A_779, %dma_wait3A_780] : memref<8x4x!tpu.dma_semaphore, #tpu.memory_space<semaphore_mem>> -> memref<1x1x!tpu.dma_semaphore, #tpu.memory_space<semaphore_mem>>
    %dma_wait3A_782 = tpu.memref_squeeze %dma_wait3A_781 : memref<1x1x!tpu.dma_semaphore, #tpu.memory_space<semaphore_mem>> -> memref<!tpu.dma_semaphore, #tpu.memory_space<semaphore_mem>>
    %dma_wait3A_783 = arith.constant 5120 : i32
    %dma_wait3A_784 = arith.constant 0 : i32
    %dma_wait3A_785 = tpu.memref_slice %arg1[%dma_wait3A_778, %dma_wait3A_783, %dma_wait3A_784] : memref<4x8192x1024xf32, #tpu.memory_space<any>> -> memref<1x1024x1024xf32, #tpu.memory_space<any>>
    %dma_wait3A_786 = tpu.memref_squeeze %dma_wait3A_785 : memref<1x1024x1024xf32, #tpu.memory_space<any>> -> memref<1024x1024xf32, #tpu.memory_space<any>>
    %dma_wait3A_787 = arith.constant 5120 : i32
    %dma_wait3A_788 = arith.constant 0 : i32
    %dma_wait3A_789 = tpu.memref_slice %arg2[%dma_wait3A_787, %dma_wait3A_788] : memref<8192x1024xf32, #tpu.memory_space<vmem>> -> memref<1024x1024xf32, #tpu.memory_space<vmem>>
    tpu.wait_dma2 semaphore(%dma_wait3A_782 : memref<!tpu.dma_semaphore, #tpu.memory_space<semaphore_mem>>) src(%dma_wait3A_789 : memref<1024x1024xf32, #tpu.memory_space<vmem>>) dst(%dma_wait3A_786 : memref<1024x1024xf32, #tpu.memory_space<any>>)
    %dma_wait3A_790 = arith.constant 2 : i32
    %dma_wait3A_791 = arith.constant 5 : i32
    %dma_wait3A_792 = arith.constant 2 : i32
    %dma_wait3A_793 = tpu.memref_slice %arg4[%dma_wait3A_791, %dma_wait3A_792] : memref<8x4x!tpu.dma_semaphore, #tpu.memory_space<semaphore_mem>> -> memref<1x1x!tpu.dma_semaphore, #tpu.memory_space<semaphore_mem>>
    %dma_wait3A_794 = tpu.memref_squeeze %dma_wait3A_793 : memref<1x1x!tpu.dma_semaphore, #tpu.memory_space<semaphore_mem>> -> memref<!tpu.dma_semaphore, #tpu.memory_space<semaphore_mem>>
    %dma_wait3A_795 = arith.constant 5120 : i32
    %dma_wait3A_796 = arith.constant 0 : i32
    %dma_wait3A_797 = tpu.memref_slice %arg1[%dma_wait3A_790, %dma_wait3A_795, %dma_wait3A_796] : memref<4x8192x1024xf32, #tpu.memory_space<any>> -> memref<1x1024x1024xf32, #tpu.memory_space<any>>
    %dma_wait3A_798 = tpu.memref_squeeze %dma_wait3A_797 : memref<1x1024x1024xf32, #tpu.memory_space<any>> -> memref<1024x1024xf32, #tpu.memory_space<any>>
    %dma_wait3A_799 = arith.constant 5120 : i32
    %dma_wait3A_800 = arith.constant 0 : i32
    %dma_wait3A_801 = tpu.memref_slice %arg2[%dma_wait3A_799, %dma_wait3A_800] : memref<8192x1024xf32, #tpu.memory_space<vmem>> -> memref<1024x1024xf32, #tpu.memory_space<vmem>>
    tpu.wait_dma2 semaphore(%dma_wait3A_794 : memref<!tpu.dma_semaphore, #tpu.memory_space<semaphore_mem>>) src(%dma_wait3A_801 : memref<1024x1024xf32, #tpu.memory_space<vmem>>) dst(%dma_wait3A_798 : memref<1024x1024xf32, #tpu.memory_space<any>>)
    %dma_wait3A_802 = arith.constant 3 : i32
    %dma_wait3A_803 = arith.constant 5 : i32
    %dma_wait3A_804 = arith.constant 3 : i32
    %dma_wait3A_805 = tpu.memref_slice %arg4[%dma_wait3A_803, %dma_wait3A_804] : memref<8x4x!tpu.dma_semaphore, #tpu.memory_space<semaphore_mem>> -> memref<1x1x!tpu.dma_semaphore, #tpu.memory_space<semaphore_mem>>
    %dma_wait3A_806 = tpu.memref_squeeze %dma_wait3A_805 : memref<1x1x!tpu.dma_semaphore, #tpu.memory_space<semaphore_mem>> -> memref<!tpu.dma_semaphore, #tpu.memory_space<semaphore_mem>>
    %dma_wait3A_807 = arith.constant 5120 : i32
    %dma_wait3A_808 = arith.constant 0 : i32
    %dma_wait3A_809 = tpu.memref_slice %arg1[%dma_wait3A_802, %dma_wait3A_807, %dma_wait3A_808] : memref<4x8192x1024xf32, #tpu.memory_space<any>> -> memref<1x1024x1024xf32, #tpu.memory_space<any>>
    %dma_wait3A_810 = tpu.memref_squeeze %dma_wait3A_809 : memref<1x1024x1024xf32, #tpu.memory_space<any>> -> memref<1024x1024xf32, #tpu.memory_space<any>>
    %dma_wait3A_811 = arith.constant 5120 : i32
    %dma_wait3A_812 = arith.constant 0 : i32
    %dma_wait3A_813 = tpu.memref_slice %arg2[%dma_wait3A_811, %dma_wait3A_812] : memref<8192x1024xf32, #tpu.memory_space<vmem>> -> memref<1024x1024xf32, #tpu.memory_space<vmem>>
    tpu.wait_dma2 semaphore(%dma_wait3A_806 : memref<!tpu.dma_semaphore, #tpu.memory_space<semaphore_mem>>) src(%dma_wait3A_813 : memref<1024x1024xf32, #tpu.memory_space<vmem>>) dst(%dma_wait3A_810 : memref<1024x1024xf32, #tpu.memory_space<any>>)
    %dma_wait3A_814 = arith.constant 0 : i32
    %dma_wait3A_815 = arith.constant 6 : i32
    %dma_wait3A_816 = arith.constant 0 : i32
    %dma_wait3A_817 = tpu.memref_slice %arg4[%dma_wait3A_815, %dma_wait3A_816] : memref<8x4x!tpu.dma_semaphore, #tpu.memory_space<semaphore_mem>> -> memref<1x1x!tpu.dma_semaphore, #tpu.memory_space<semaphore_mem>>
    %dma_wait3A_818 = tpu.memref_squeeze %dma_wait3A_817 : memref<1x1x!tpu.dma_semaphore, #tpu.memory_space<semaphore_mem>> -> memref<!tpu.dma_semaphore, #tpu.memory_space<semaphore_mem>>
    %dma_wait3A_819 = arith.constant 6144 : i32
    %dma_wait3A_820 = arith.constant 0 : i32
    %dma_wait3A_821 = tpu.memref_slice %arg1[%dma_wait3A_814, %dma_wait3A_819, %dma_wait3A_820] : memref<4x8192x1024xf32, #tpu.memory_space<any>> -> memref<1x1024x1024xf32, #tpu.memory_space<any>>
    %dma_wait3A_822 = tpu.memref_squeeze %dma_wait3A_821 : memref<1x1024x1024xf32, #tpu.memory_space<any>> -> memref<1024x1024xf32, #tpu.memory_space<any>>
    %dma_wait3A_823 = arith.constant 6144 : i32
    %dma_wait3A_824 = arith.constant 0 : i32
    %dma_wait3A_825 = tpu.memref_slice %arg2[%dma_wait3A_823, %dma_wait3A_824] : memref<8192x1024xf32, #tpu.memory_space<vmem>> -> memref<1024x1024xf32, #tpu.memory_space<vmem>>
    tpu.wait_dma2 semaphore(%dma_wait3A_818 : memref<!tpu.dma_semaphore, #tpu.memory_space<semaphore_mem>>) src(%dma_wait3A_825 : memref<1024x1024xf32, #tpu.memory_space<vmem>>) dst(%dma_wait3A_822 : memref<1024x1024xf32, #tpu.memory_space<any>>)
    %dma_wait3A_826 = arith.constant 1 : i32
    %dma_wait3A_827 = arith.constant 6 : i32
    %dma_wait3A_828 = arith.constant 1 : i32
    %dma_wait3A_829 = tpu.memref_slice %arg4[%dma_wait3A_827, %dma_wait3A_828] : memref<8x4x!tpu.dma_semaphore, #tpu.memory_space<semaphore_mem>> -> memref<1x1x!tpu.dma_semaphore, #tpu.memory_space<semaphore_mem>>
    %dma_wait3A_830 = tpu.memref_squeeze %dma_wait3A_829 : memref<1x1x!tpu.dma_semaphore, #tpu.memory_space<semaphore_mem>> -> memref<!tpu.dma_semaphore, #tpu.memory_space<semaphore_mem>>
    %dma_wait3A_831 = arith.constant 6144 : i32
    %dma_wait3A_832 = arith.constant 0 : i32
    %dma_wait3A_833 = tpu.memref_slice %arg1[%dma_wait3A_826, %dma_wait3A_831, %dma_wait3A_832] : memref<4x8192x1024xf32, #tpu.memory_space<any>> -> memref<1x1024x1024xf32, #tpu.memory_space<any>>
    %dma_wait3A_834 = tpu.memref_squeeze %dma_wait3A_833 : memref<1x1024x1024xf32, #tpu.memory_space<any>> -> memref<1024x1024xf32, #tpu.memory_space<any>>
    %dma_wait3A_835 = arith.constant 6144 : i32
    %dma_wait3A_836 = arith.constant 0 : i32
    %dma_wait3A_837 = tpu.memref_slice %arg2[%dma_wait3A_835, %dma_wait3A_836] : memref<8192x1024xf32, #tpu.memory_space<vmem>> -> memref<1024x1024xf32, #tpu.memory_space<vmem>>
    tpu.wait_dma2 semaphore(%dma_wait3A_830 : memref<!tpu.dma_semaphore, #tpu.memory_space<semaphore_mem>>) src(%dma_wait3A_837 : memref<1024x1024xf32, #tpu.memory_space<vmem>>) dst(%dma_wait3A_834 : memref<1024x1024xf32, #tpu.memory_space<any>>)
    %dma_wait3A_838 = arith.constant 2 : i32
    %dma_wait3A_839 = arith.constant 6 : i32
    %dma_wait3A_840 = arith.constant 2 : i32
    %dma_wait3A_841 = tpu.memref_slice %arg4[%dma_wait3A_839, %dma_wait3A_840] : memref<8x4x!tpu.dma_semaphore, #tpu.memory_space<semaphore_mem>> -> memref<1x1x!tpu.dma_semaphore, #tpu.memory_space<semaphore_mem>>
    %dma_wait3A_842 = tpu.memref_squeeze %dma_wait3A_841 : memref<1x1x!tpu.dma_semaphore, #tpu.memory_space<semaphore_mem>> -> memref<!tpu.dma_semaphore, #tpu.memory_space<semaphore_mem>>
    %dma_wait3A_843 = arith.constant 6144 : i32
    %dma_wait3A_844 = arith.constant 0 : i32
    %dma_wait3A_845 = tpu.memref_slice %arg1[%dma_wait3A_838, %dma_wait3A_843, %dma_wait3A_844] : memref<4x8192x1024xf32, #tpu.memory_space<any>> -> memref<1x1024x1024xf32, #tpu.memory_space<any>>
    %dma_wait3A_846 = tpu.memref_squeeze %dma_wait3A_845 : memref<1x1024x1024xf32, #tpu.memory_space<any>> -> memref<1024x1024xf32, #tpu.memory_space<any>>
    %dma_wait3A_847 = arith.constant 6144 : i32
    %dma_wait3A_848 = arith.constant 0 : i32
    %dma_wait3A_849 = tpu.memref_slice %arg2[%dma_wait3A_847, %dma_wait3A_848] : memref<8192x1024xf32, #tpu.memory_space<vmem>> -> memref<1024x1024xf32, #tpu.memory_space<vmem>>
    tpu.wait_dma2 semaphore(%dma_wait3A_842 : memref<!tpu.dma_semaphore, #tpu.memory_space<semaphore_mem>>) src(%dma_wait3A_849 : memref<1024x1024xf32, #tpu.memory_space<vmem>>) dst(%dma_wait3A_846 : memref<1024x1024xf32, #tpu.memory_space<any>>)
    %dma_wait3A_850 = arith.constant 3 : i32
    %dma_wait3A_851 = arith.constant 6 : i32
    %dma_wait3A_852 = arith.constant 3 : i32
    %dma_wait3A_853 = tpu.memref_slice %arg4[%dma_wait3A_851, %dma_wait3A_852] : memref<8x4x!tpu.dma_semaphore, #tpu.memory_space<semaphore_mem>> -> memref<1x1x!tpu.dma_semaphore, #tpu.memory_space<semaphore_mem>>
    %dma_wait3A_854 = tpu.memref_squeeze %dma_wait3A_853 : memref<1x1x!tpu.dma_semaphore, #tpu.memory_space<semaphore_mem>> -> memref<!tpu.dma_semaphore, #tpu.memory_space<semaphore_mem>>
    %dma_wait3A_855 = arith.constant 6144 : i32
    %dma_wait3A_856 = arith.constant 0 : i32
    %dma_wait3A_857 = tpu.memref_slice %arg1[%dma_wait3A_850, %dma_wait3A_855, %dma_wait3A_856] : memref<4x8192x1024xf32, #tpu.memory_space<any>> -> memref<1x1024x1024xf32, #tpu.memory_space<any>>
    %dma_wait3A_858 = tpu.memref_squeeze %dma_wait3A_857 : memref<1x1024x1024xf32, #tpu.memory_space<any>> -> memref<1024x1024xf32, #tpu.memory_space<any>>
    %dma_wait3A_859 = arith.constant 6144 : i32
    %dma_wait3A_860 = arith.constant 0 : i32
    %dma_wait3A_861 = tpu.memref_slice %arg2[%dma_wait3A_859, %dma_wait3A_860] : memref<8192x1024xf32, #tpu.memory_space<vmem>> -> memref<1024x1024xf32, #tpu.memory_space<vmem>>
    tpu.wait_dma2 semaphore(%dma_wait3A_854 : memref<!tpu.dma_semaphore, #tpu.memory_space<semaphore_mem>>) src(%dma_wait3A_861 : memref<1024x1024xf32, #tpu.memory_space<vmem>>) dst(%dma_wait3A_858 : memref<1024x1024xf32, #tpu.memory_space<any>>)
    %dma_wait3A_862 = arith.constant 0 : i32
    %dma_wait3A_863 = arith.constant 7 : i32
    %dma_wait3A_864 = arith.constant 0 : i32
    %dma_wait3A_865 = tpu.memref_slice %arg4[%dma_wait3A_863, %dma_wait3A_864] : memref<8x4x!tpu.dma_semaphore, #tpu.memory_space<semaphore_mem>> -> memref<1x1x!tpu.dma_semaphore, #tpu.memory_space<semaphore_mem>>
    %dma_wait3A_866 = tpu.memref_squeeze %dma_wait3A_865 : memref<1x1x!tpu.dma_semaphore, #tpu.memory_space<semaphore_mem>> -> memref<!tpu.dma_semaphore, #tpu.memory_space<semaphore_mem>>
    %dma_wait3A_867 = arith.constant 7168 : i32
    %dma_wait3A_868 = arith.constant 0 : i32
    %dma_wait3A_869 = tpu.memref_slice %arg1[%dma_wait3A_862, %dma_wait3A_867, %dma_wait3A_868] : memref<4x8192x1024xf32, #tpu.memory_space<any>> -> memref<1x1024x1024xf32, #tpu.memory_space<any>>
    %dma_wait3A_870 = tpu.memref_squeeze %dma_wait3A_869 : memref<1x1024x1024xf32, #tpu.memory_space<any>> -> memref<1024x1024xf32, #tpu.memory_space<any>>
    %dma_wait3A_871 = arith.constant 7168 : i32
    %dma_wait3A_872 = arith.constant 0 : i32
    %dma_wait3A_873 = tpu.memref_slice %arg2[%dma_wait3A_871, %dma_wait3A_872] : memref<8192x1024xf32, #tpu.memory_space<vmem>> -> memref<1024x1024xf32, #tpu.memory_space<vmem>>
    tpu.wait_dma2 semaphore(%dma_wait3A_866 : memref<!tpu.dma_semaphore, #tpu.memory_space<semaphore_mem>>) src(%dma_wait3A_873 : memref<1024x1024xf32, #tpu.memory_space<vmem>>) dst(%dma_wait3A_870 : memref<1024x1024xf32, #tpu.memory_space<any>>)
    %dma_wait3A_874 = arith.constant 1 : i32
    %dma_wait3A_875 = arith.constant 7 : i32
    %dma_wait3A_876 = arith.constant 1 : i32
    %dma_wait3A_877 = tpu.memref_slice %arg4[%dma_wait3A_875, %dma_wait3A_876] : memref<8x4x!tpu.dma_semaphore, #tpu.memory_space<semaphore_mem>> -> memref<1x1x!tpu.dma_semaphore, #tpu.memory_space<semaphore_mem>>
    %dma_wait3A_878 = tpu.memref_squeeze %dma_wait3A_877 : memref<1x1x!tpu.dma_semaphore, #tpu.memory_space<semaphore_mem>> -> memref<!tpu.dma_semaphore, #tpu.memory_space<semaphore_mem>>
    %dma_wait3A_879 = arith.constant 7168 : i32
    %dma_wait3A_880 = arith.constant 0 : i32
    %dma_wait3A_881 = tpu.memref_slice %arg1[%dma_wait3A_874, %dma_wait3A_879, %dma_wait3A_880] : memref<4x8192x1024xf32, #tpu.memory_space<any>> -> memref<1x1024x1024xf32, #tpu.memory_space<any>>
    %dma_wait3A_882 = tpu.memref_squeeze %dma_wait3A_881 : memref<1x1024x1024xf32, #tpu.memory_space<any>> -> memref<1024x1024xf32, #tpu.memory_space<any>>
    %dma_wait3A_883 = arith.constant 7168 : i32
    %dma_wait3A_884 = arith.constant 0 : i32
    %dma_wait3A_885 = tpu.memref_slice %arg2[%dma_wait3A_883, %dma_wait3A_884] : memref<8192x1024xf32, #tpu.memory_space<vmem>> -> memref<1024x1024xf32, #tpu.memory_space<vmem>>
    tpu.wait_dma2 semaphore(%dma_wait3A_878 : memref<!tpu.dma_semaphore, #tpu.memory_space<semaphore_mem>>) src(%dma_wait3A_885 : memref<1024x1024xf32, #tpu.memory_space<vmem>>) dst(%dma_wait3A_882 : memref<1024x1024xf32, #tpu.memory_space<any>>)
    %dma_wait3A_886 = arith.constant 2 : i32
    %dma_wait3A_887 = arith.constant 7 : i32
    %dma_wait3A_888 = arith.constant 2 : i32
    %dma_wait3A_889 = tpu.memref_slice %arg4[%dma_wait3A_887, %dma_wait3A_888] : memref<8x4x!tpu.dma_semaphore, #tpu.memory_space<semaphore_mem>> -> memref<1x1x!tpu.dma_semaphore, #tpu.memory_space<semaphore_mem>>
    %dma_wait3A_890 = tpu.memref_squeeze %dma_wait3A_889 : memref<1x1x!tpu.dma_semaphore, #tpu.memory_space<semaphore_mem>> -> memref<!tpu.dma_semaphore, #tpu.memory_space<semaphore_mem>>
    %dma_wait3A_891 = arith.constant 7168 : i32
    %dma_wait3A_892 = arith.constant 0 : i32
    %dma_wait3A_893 = tpu.memref_slice %arg1[%dma_wait3A_886, %dma_wait3A_891, %dma_wait3A_892] : memref<4x8192x1024xf32, #tpu.memory_space<any>> -> memref<1x1024x1024xf32, #tpu.memory_space<any>>
    %dma_wait3A_894 = tpu.memref_squeeze %dma_wait3A_893 : memref<1x1024x1024xf32, #tpu.memory_space<any>> -> memref<1024x1024xf32, #tpu.memory_space<any>>
    %dma_wait3A_895 = arith.constant 7168 : i32
    %dma_wait3A_896 = arith.constant 0 : i32
    %dma_wait3A_897 = tpu.memref_slice %arg2[%dma_wait3A_895, %dma_wait3A_896] : memref<8192x1024xf32, #tpu.memory_space<vmem>> -> memref<1024x1024xf32, #tpu.memory_space<vmem>>
    tpu.wait_dma2 semaphore(%dma_wait3A_890 : memref<!tpu.dma_semaphore, #tpu.memory_space<semaphore_mem>>) src(%dma_wait3A_897 : memref<1024x1024xf32, #tpu.memory_space<vmem>>) dst(%dma_wait3A_894 : memref<1024x1024xf32, #tpu.memory_space<any>>)
    %dma_wait3A_898 = arith.constant 3 : i32
    %dma_wait3A_899 = arith.constant 7 : i32
    %dma_wait3A_900 = arith.constant 3 : i32
    %dma_wait3A_901 = tpu.memref_slice %arg4[%dma_wait3A_899, %dma_wait3A_900] : memref<8x4x!tpu.dma_semaphore, #tpu.memory_space<semaphore_mem>> -> memref<1x1x!tpu.dma_semaphore, #tpu.memory_space<semaphore_mem>>
    %dma_wait3A_902 = tpu.memref_squeeze %dma_wait3A_901 : memref<1x1x!tpu.dma_semaphore, #tpu.memory_space<semaphore_mem>> -> memref<!tpu.dma_semaphore, #tpu.memory_space<semaphore_mem>>
    %dma_wait3A_903 = arith.constant 7168 : i32
    %dma_wait3A_904 = arith.constant 0 : i32
    %dma_wait3A_905 = tpu.memref_slice %arg1[%dma_wait3A_898, %dma_wait3A_903, %dma_wait3A_904] : memref<4x8192x1024xf32, #tpu.memory_space<any>> -> memref<1x1024x1024xf32, #tpu.memory_space<any>>
    %dma_wait3A_906 = tpu.memref_squeeze %dma_wait3A_905 : memref<1x1024x1024xf32, #tpu.memory_space<any>> -> memref<1024x1024xf32, #tpu.memory_space<any>>
    %dma_wait3A_907 = arith.constant 7168 : i32
    %dma_wait3A_908 = arith.constant 0 : i32
    %dma_wait3A_909 = tpu.memref_slice %arg2[%dma_wait3A_907, %dma_wait3A_908] : memref<8192x1024xf32, #tpu.memory_space<vmem>> -> memref<1024x1024xf32, #tpu.memory_space<vmem>>
    tpu.wait_dma2 semaphore(%dma_wait3A_902 : memref<!tpu.dma_semaphore, #tpu.memory_space<semaphore_mem>>) src(%dma_wait3A_909 : memref<1024x1024xf32, #tpu.memory_space<vmem>>) dst(%dma_wait3A_906 : memref<1024x1024xf32, #tpu.memory_space<any>>)
    return
  }
}

</mosaic_0001>

<sc_bundles>
// kernel: kernel.4.cloned.1.call-start
scs
__scs_entry_jumppad:
0x0: {  	(pc) =	sbr.rel $0x88, $3  }
0x1: {  	(tag) =	ssettag $0x0;
	lr =	simm.s32 $0x1  }
0x2: {  	[smem:$0x3F9F] =	sst lr;
	_ =	strace $0xD0000000  }
0x3: {  	_ = 	snop  }
0x4: {  	_ = 	snop  }
0x5: {  	_ = 	snop  }
0x6: {  	_ = 	snop  }
0x7: {  	_ = 	snop  }
__scs_overlays_trampoline_lowered:
0x8: {  	[smem:$0x3FAE] =	sst s0  }
0x9: {  	[smem:$0x3FAF] =	sst s1  }
0xa: {  	[smem:$0x3FB0] =	sst s2  }
0xb: {  	[smem:$0x3FB1] =	sst s3  }
0xc: {  	[smem:$0x3FB2] =	sst s4  }
0xd: {  	[smem:$0x3FB3] =	sst s5  }
0xe: {  	[smem:$0x3FB4] =	sst s6  }
0xf: {  	[smem:$0x3FB5] =	sst s7  }
0x10: {  	[smem:$0x3FB6] =	sst s8  }
0x11: {  	[smem:$0x3FB7] =	sst s9;
	s0 =	simm.s32 @!p0 $0x0  }
0x12: {  	s1 =	sld [smem:$0x3F9D];
	s0 =	simm.s32 @p0 $0x1  }
0x13: {  	[smem:$0x3FB8] =	sst s0;
	s0 =	simm.s32 @!p1 $0x0  }
0x14: {  	s2 =	sld [smem:$0x3F9C];
	s0 =	simm.s32 @p1 $0x1  }
0x15: {  	[smem:$0x3FB9] =	sst s0;
	s0 =	simm.s32 @!p2 $0x0  }
0x16: {  	s3 =	sld [smem:$0x3FDB];
	s0 =	simm.s32 @p2 $0x1  }
0x17: {  	s4 =	simm.s32 $0x1BF5;
	[smem:$0x3FBB] =	sst s0  }
0x18: {  	s0 =	sld [smem:$0x3F9E];
	_ =	swait.ge [sflag:s4], $0x0  }
0x19: {  	s7 =	sld [smem:$0x3F9F]  }
0x1a: {  	s8 =	sadd.s32 $0xFFFFE003, lr  }
0x1b: {  	s9 =	sadd.s32 $0xFFFFFEF7, lr;
	s5 =	simm.s32 $0xFFFFFFFF;
	p2 =	slt.u32 s8, $0xFFFFF086  }
0x1c: {  	p1 =	slt.u32 s9, $0xF7A;
	s5 =	simm.s32 @!p2 $0x0  }
0x1d: {  	s5 =	simm.s32 @p1 $0x1;
	p0 =	seq.s32 s7, s2  }
0x1e: {  	s7 =	smul.u32 @!p0 $0xF7A, s2;
	p2 =	seq.s32 @!p0 s5, $0x0  }
0x1f: {  	s9 =	smul.u32 $0xF7A, s1;
	s8 =	simm.s32 @!p0 $0x1BF5;
	p2 =	por !p2, p0  }
0x20: {  	[sflag:s8] =	ssyncset.s32 @!p0 $0xFFFFF086;
	s6 =	sadd.s32 @!p0 s3, s7;
	s7 =	simm.s32 @!p0 $0x108  }
0x21: {  	s3 =	sadd.s32 s3, s9;
	s6 =	sadd.s32 @!p0 $0x88, s6;
	s7 =	simm.s32 @p2 $0x1082  }
0x22: {  	[simem:s7], [sflag:s8] =	dma.local @!p0 [hbm:s6], $0xF7A  }
0x23: {  	s9 =	sor.u32 $0xD0000000, s2;
	s6 =	simm.s32 $0x108;
	_ =	swait.ge @!p0 [sflag:s8], $0x0  }
0x24: {  	s3 =	sadd.s32 $0x88, s3;
	s6 =	simm.s32 @!p1 $0x1082;
	[sflag:s4] =	ssyncset.s32 $0xFFFFF086  }
0x25: {  	[simem:s6], [sflag:s4] =	dma.local [hbm:s3], $0xF7A  }
0x26: {  	[smem:$0x3F9F] =	sst s1;
	(tag) =	ssettag s2;
	_ =	strace s9  }
0x27: {  	s1 =	sld [smem:$0x3FAF]  }
0x28: {  	s2 =	sld [smem:$0x3FB0]  }
0x29: {  	s4 =	sld [smem:$0x3FB2]  }
0x2a: {  	p0 =	seq.s32 s5, $0x0;
	s5 =	sld [smem:$0x3FB3]  }
0x2b: {  	s6 =	sld [smem:$0x3FB4]  }
0x2c: {  	s7 =	sld [smem:$0x3FB5]  }
0x2d: {  	s3 =	simm.s32 $0x108;
	s8 =	sld [smem:$0x3FB6]  }
0x2e: {  	s3 =	simm.s32 @!p0 $0x1082;
	s9 =	sld [smem:$0x3FB7]  }
0x2f: {  	lr =	sadd.s32 s0, s3;
	s0 =	sld [smem:$0x3FAE]  }
0x30: {  	s3 =	sld [smem:$0x3FB1]  }
0x31: {  	[smem:$0x3FBA] =	sst s10  }
0x32: {  	s10 =	sld [smem:$0x3FB8];
	_ =	sdelay $0x3  }
0x33: {  	p0 =	seq.s32 s10, $0x1;
	s10 =	sld [smem:$0x3FBA];
	_ =	sdelay $0x3  }
0x34: {  	[smem:$0x3FBA] =	sst s10  }
0x35: {  	s10 =	sld [smem:$0x3FB9];
	_ =	sdelay $0x3  }
0x36: {  	p1 =	seq.s32 s10, $0x1;
	s10 =	sld [smem:$0x3FBA];
	_ =	sdelay $0x3  }
0x37: {  	[smem:$0x3FBA] =	sst s10  }
0x38: {  	s10 =	sld [smem:$0x3FBB]  }
0x39: {  	_ = 	snop;
	(pc) =	sbr.ind lr, $3  }
0x3a: {  	_ = 	snop  }
0x3b: {  	_ = 	snop  }
0x3c: {  	p2 =	seq.s32 s10, $0x1;
	s10 =	sld [smem:$0x3FBA]  }
0x3d: {  	_ =	shalt  }
0x3e: {  	_ =	shalt  }
0x3f: {  	_ =	shalt  }
0x40: {  	_ =	shalt  }
0x41: {  	_ =	shalt  }
0x42: {  	_ =	shalt  }
0x43: {  	_ =	shalt  }
0x44: {  	_ =	shalt  }
0x45: {  	_ =	shalt  }
0x46: {  	_ =	shalt  }
0x47: {  	_ =	shalt  }
0x48: {  	_ =	shalt  }
0x49: {  	_ =	shalt  }
0x4a: {  	_ =	shalt  }
0x4b: {  	_ =	shalt  }
0x4c: {  	_ =	shalt  }
0x4d: {  	_ =	shalt  }
0x4e: {  	_ =	shalt  }
0x4f: {  	_ =	shalt  }
0x50: {  	_ =	shalt  }
0x51: {  	_ =	shalt  }
0x52: {  	_ =	shalt  }
0x53: {  	_ =	shalt  }
0x54: {  	_ =	shalt  }
0x55: {  	_ =	shalt  }
0x56: {  	_ =	shalt  }
0x57: {  	_ =	shalt  }
0x58: {  	_ =	shalt  }
0x59: {  	_ =	shalt  }
0x5a: {  	_ =	shalt  }
0x5b: {  	_ =	shalt  }
0x5c: {  	_ =	shalt  }
0x5d: {  	_ =	shalt  }
0x5e: {  	_ =	shalt  }
0x5f: {  	_ =	shalt  }
0x60: {  	_ =	shalt  }
0x61: {  	_ =	shalt  }
0x62: {  	_ =	shalt  }
0x63: {  	_ =	shalt  }
0x64: {  	_ =	shalt  }
0x65: {  	_ =	shalt  }
0x66: {  	_ =	shalt  }
0x67: {  	_ =	shalt  }
0x68: {  	_ =	shalt  }
0x69: {  	_ =	shalt  }
0x6a: {  	_ =	shalt  }
0x6b: {  	_ =	shalt  }
0x6c: {  	_ =	shalt  }
0x6d: {  	_ =	shalt  }
0x6e: {  	_ =	shalt  }
0x6f: {  	_ =	shalt  }
0x70: {  	_ =	shalt  }
0x71: {  	_ =	shalt  }
0x72: {  	_ =	shalt  }
0x73: {  	_ =	shalt  }
0x74: {  	_ =	shalt  }
0x75: {  	_ =	shalt  }
0x76: {  	_ =	shalt  }
0x77: {  	_ =	shalt  }
0x78: {  	_ =	shalt  }
0x79: {  	_ =	shalt  }
0x7a: {  	_ =	shalt  }
0x7b: {  	_ =	shalt  }
0x7c: {  	_ =	shalt  }
0x7d: {  	_ =	shalt  }
0x7e: {  	_ =	shalt  }
0x7f: {  	_ =	shalt  }
0x80: {  	_ =	shalt  }
0x81: {  	_ =	shalt  }
0x82: {  	_ =	shalt  }
0x83: {  	_ =	shalt  }
0x84: {  	_ =	shalt  }
0x85: {  	_ =	shalt  }
0x86: {  	_ =	shalt  }
0x87: {  	_ =	shalt  }
.Lfunc_end0:
.L_simem_size_0:
called_computation_lowered:
.L_overlay_start_0:
0x88: {  	s2 =	sld [smem:$0x3FD9]  }
0x89: {  	s3 =	sld [smem:$0x3FFE];
	_ =	sdelay $0x1  }
0x8a: {  	s1 =	srdreg.scid  }
0x8b: {  	s0 =	sand.u32 $0x1, s1  }
0x8c: {  	s17 =	sshll.u32 s0, $0xA;
	s2 =	sadd.s32 s3, s2  }
0x8d: {  	s2 =	sadd.s32 s2, s17  }
0x8e: {  	[smem:$0x3FC6] =	sst s2  }
0x8f: {  	_ = 	snop  }
0x90: {  	s2 =	sld [smem:$0x3FC9];
	(tm) =	ssettm $0x1  }
0x91: {  	s18 =	sld [smem:$0x3FFB];
	_ =	sdelay $0x3  }
0x92: {  	_ =	strace s18  }
0x93: {  	s3 =	sld [smem:$0x3FFC];
	_ =	sdelay $0x3  }
0x94: {  	_ =	strace s3  }
0x95: {  	s3 =	sld [smem:$0x3FFD];
	_ =	sdelay $0x3  }
0x96: {  	_ =	strace s3  }
0x97: {  	_ =	strace $0x8FFFFFFF  }
0x98: {  	s19 =	sld [smem:$0x3FDB];
	_ =	sdelay $0x1  }
0x99: {  	s4 =	simm.s32 $_scs_section_size  }
0x9a: {  	s5 =	simm.s32 $_size__tile_overlayer_lowered;
	s6 =	simm.s32 $_tile_overlayer_lowered  }
0x9b: {  	s22 =	simm.s32 $0x1BFF;
	s21 =	sshll.u32 s6, $0x1;
	s3 =	sadd.s32 s4, s19  }
0x9c: {  	s7 =	simm.s32 $0x0;
	s20 =	sshll.u32 s5, $0x1;
	s5 =	sadd.s32 s21, s3  }
0x9d: {  	[timem:s7], [sflag:s22] =	dma.local [hbm:s5], s20  }
0x9e: {  	_ =	swait.ge [sflag:s22], s20  }
0x9f: {  	s4 =	ssub.s32 $0x0, s20;
	[sflag:s22] =	ssyncset.done $0x0  }
0xa0: {  	[sflag:s22] =	ssyncadd.s32 s4;
	_ =	sdelay $0x1  }
0xa1: {  	s23 =	simm.s32 $0x1B8B  }
0xa2: {  	_ =	swait.ge [sflag:s23], $0x1  }
0xa3: {  	[sflag:s23] =	ssyncset.done $0x0  }
0xa4: {  	s25 =	simm.s32 $0x1B8E;
	s24 =	sld [smem:$0x3FFE];
	[sflag:s23] =	ssyncadd.s32 $0xFFFFFFFF  }
0xa5: {  	s26 =	simm.s32 $execute0_lowered;
	[smem:$0x3FD2] =	sst s25  }
0xa6: {  	s5 =	sshll.u32 s26, $0x1;
	_ =	strace $0x80000046;
	[dreg:$0x1] =	wrdreg $0xFFFFFFFF  }
0xa7: {  	s28 =	simm.s32 $_size_execute0_lowered;
	s3 =	sadd.s32 s3, s5;
	[dreg:$0x0] =	wrdreg $0x0  }
0xa8: {  	s5 =	sshll.u32 s28, $0x1;
	[dreg:$0x2] =	wrdreg s3  }
0xa9: {  	[dreg:$0x3] =	wrdreg s5  }
0xaa: {  	[dreg:$0x4] =	wrdreg $0xC0  }
0xab: {  	_ =	task [dreg:s7], $0x5FFFF  }
0xac: {  	[dreg:$0x1] =	wrdreg $0xFFFFFFFF  }
0xad: {  	[dreg:$0x0] =	wrdreg $0x60  }
0xae: {  	[dreg:$0x2] =	wrdreg s2  }
0xaf: {  	[dreg:$0x3] =	wrdreg s24  }
0xb0: {  	[dreg:$0x4] =	wrdreg $0x9  }
0xb1: {  	_ =	task.clear_ibuf [dreg:s7], $0x5FFFF;
	_ =	strace $0x90000046  }
0xb2: {  	s29 =	simm.s32 $0x9;
	_ =	strace $0x80000048  }
0xb3: {  	_ =	swait.ge [sflag:s29], $0x1  }
0xb4: {  	[sflag:s29] =	ssyncadd.s32 $0xFFFFFFFF  }
0xb5: {  	_ =	strace $0x90000048  }
0xb6: {  	_ =	sfence  }
0xb7: {  	s30 =	sld [smem:$0x0];
	_ =	sdelay $0x2  }
0xb8: {  	s31 =	sshll.u32 s1, $0xD;
	s1 =	sshrl.u32 s1, $0x2  }
0xb9: {  	s3 =	sand.u32 $0x4000, s31;
	s1 =	sadd.s32 s1, s30  }
0xba: {  	s0 =	sor.u32 s3, s0;
	s1 =	sshll.u32 s1, $0x11  }
0xbb: {  	s0 =	sor.u32 s1, s0  }
0xbc: {  	s0 =	sadd.s32 $0x8F2B, s0  }
0xbd: {  	[sflag:s0] =	ssyncadd.remote.s32 $0x1  }
0xbe: {  	_ =	sfence.sel $0xFFFF  }
0xbf: {  	[dreg:$0x0] =	wrdreg $0xFFFFFFFF;
	(pc) =	sbr.abs _section_cstart, $3  }
0xc0: {  	[dreg:$0x1] =	wrdreg $0xFFFFFFFF  }
0xc1: {  	_ =	task.clear_ibuf [dreg:s7], $0x2FFFF;
	_ =	strace $0x9FFFFFFF  }
0xc2: {  	(tm) =	ssettm $0x7FFFFFFF  }
0xc3: {  	_ =	shalt  }
tec
execute0_lowered:
.L_overlay_start_1:
0x0: {  	(tag) =	ssettag $0x1  }
0x1: {  	s0 =	stileid.u32;
	s3 =	rddreg [dreg:$0x0]  }
0x2: {  	s1 =	srdreg.scid;
	s4 =	rddreg [dreg:$0x1]  }
0x3: {  	s8 =	simm.s32 $0x1;
	s9 =	simm.s32 $0x400;
	s10 =	simm.s32 $0x0  }
0x4: {  	s2 =	sshll.u32 s0, $0x1;
	s5 =	sand.u32 $0x1, s1;
	s7 =	sshll.u32 s0, $0x2  }
0x5: {  	s1 =	rddreg [dreg:$0x2];
	s2 =	sand.u32 $0x6, s2;
	s7 =	sand.u32 $0x30, s7  }
0x6: {  	s6 =	sor.u32 s5, s2;
	s2 =	simm.s32 $0x0;
	s5 =	ssub.s32 $0x2, s5  }
0x7: {  	s6 =	sshll.u32 s6, $0x9;
	[smem:$0x7FF] =	sst s2;
	s31 =	sshrl.u32 s5, $0x1  }
0x8: {  	s6 =	sor.u32 s7, s6;
	_ =	strace $0x80000047;
	s5 =	ssub.s32 s5, s31  }
0x9: {  	s7 =	simm.s32 $0x200;
	s4 =	sadd.s32 s6, s4;
	s3 =	sadd.s32 s3, s6  }
0xa: {  	v0 =	vimm.s32 $0x0;
	s5 =	smax.u32 s5, $0x1;
	s6 =	simm.s32 $0x80;
	s4 =	sadd.s32 $0x400, s4  }
.LBB2_1:
0xb: {  	[tilespmem:s2], [sflag:$0x1] =	stream.strided.gather [hbm4b:s3+s6], $0x400, s7, s6, $0x38;
	[tilespmem:$0x800] =	vst v63  }
0xc: {  	_ =	swait.ge [sflag:s8], $0x400  }
0xd: {  	[sflag:s8] =	ssyncset.done $0x0  }
0xe: {  	s11 =	simm.s32 $0x0;
	[sflag:s8] =	ssyncadd.s32 $0xFFFFFC00  }
0xf: {  	v1 =	vld [tilespmem:s11+$0x0]  }
0x10: {  	s12 =	simm.s32 $0x40  }
.LBB2_2:
0x11: {  	p0 =	sne.s32 s12, $0xFC0  }
.Ltmp0:
0x12: {  	_ = 	snop;
	(pc) =	sbr.rel @p0 .LBB2_2-.Ltmp0, $4  }
0x13: {  	_ = 	snop  }
0x14: {  	s13 =	sshra.s32 s12, $0x2;
	s12 =	sadd.s32 $0x40, s12;
	vm0 =	veq.s32 v1, $0x0  }
0x15: {  	v1 =	vld [tilespmem:s13+$0x0];
	v2 =	vsel vm0, $0x1, v0  }
0x16: {  	[tilespmem:s11+$0x400] =	vst v2;
	s11 =	smov.u32 s13  }
0x17: {  	_ =	sdelay $0x2  }
0x18: {  	s10 =	sadd.s32 $0x1, s10;
	vm0 =	veq.s32 v1, $0x0  }
0x19: {  	p0 =	sne.s32 s10, s5;
	v1 =	vsel vm0, $0x1, v0  }
.Ltmp1:
0x1a: {  	[tilespmem:s11+$0x400] =	vst v1;
	(pc) =	sbr.rel @p0 .LBB2_1-.Ltmp1, $4  }
0x1b: {  	[hbm4b:s4+s6] =	stream.strided.scatter [tilespmem:s9], [sflag:$0x1], $0x400, s7, s6, $0x38;
	[tilespmem:$0x800] =	vst v63  }
0x1c: {  	_ =	swait.ge [sflag:s8], $0x400  }
0x1d: {  	[sflag:s8] =	ssyncset.done $0x0  }
0x1e: {  	[sflag:s8] =	ssyncadd.s32 $0xFFFFFC00  }
0x1f: {  	_ =	sfence.sel $0x180000  }
0x20: {  	[bflag:$0x0] =	sbarrier.arrive $0xFFFF  }
0x21: {  	p0 =	sne.s32 s0, $0x0;
	_ =	strace $0x90000047  }
0x22: {  	s0 =	sadd.s32 @!p0 $0x100000, s1;
	[bflag:$0x2] =	sbarrier.arrive $0xFFFF  }
0x23: {  	[sflag:s0] =	ssyncadd.tile.s32 @!p0 $0x1;
	_ =	shalt  }
.Lfunc_end2:
_tile_overlayer_lowered:
.L_overlay_start_2:
0x24: {  	(tag) =	ssettag $0x2  }
0x25: {  	s0 =	rddreg [dreg:$0x0];
	s2 =	stileid.u32  }
0x26: {  	s1 =	rddreg [dreg:$0x1];
	p0 =	sne.s32 s2, $0x0  }
0x27: {  	s3 =	rddreg [dreg:$0x2];
	[bflag:$0x3] =	sbarrier.arrive $0xFFFF;
	s2 =	simm.s32 @!p0 $0x1C01  }
0x28: {  	[timem:s3], [sflag:s2] =	dma.local @!p0 [hbm:s0], s1  }
0x29: {  	s0 =	simm.s32 @!p0 $0x1  }
0x2a: {  	_ =	swait.ge @!p0 [sflag:s0], s1  }
0x2b: {  	s1 =	ssub.s32 @!p0 $0x0, s1;
	[sflag:s0] =	ssyncset.done @!p0 $0x0  }
0x2c: {  	[sflag:s0] =	ssyncadd.s32 @!p0 s1  }
0x2d: {  	[bflag:$0x3] =	sbarrier.arrive $0xFFFF  }
0x2e: {  	_ =	shalt  }

</sc_bundles>
